<compile_context>
chip_gen: v7x
topology: tpu7x:2x2x1
jax: 0.10.2.dev20260603
libtpu: 0.0.44.dev20260713+nightly
codegen_flags: <defaults>
</compile_context>

<pallas_src>
import jax
import jax.numpy as jnp
from jax import lax
from jax.experimental import pallas as pl
from jax.experimental.pallas import tpu as pltpu
from jax.experimental.pallas import tpu_sc as plsc

B = 4
N = 8192
D_PATCH = 1024
HID = 256
K_SAMPLE = 512
KNN = 8
NT = 4
TN = N // NT


def _scores_kernel(img_ref, txt_ref, wi_ref, bi_ref, wt_ref, bt_ref,
                   out_ref, te_s):
    b = pl.program_id(0)
    j = pl.program_id(1)

    @pl.when(jnp.logical_and(b == 0, j == 0))
    def _():
        te_t = lax.dot_general(wt_ref[...], txt_ref[...],
                               (((0,), (1,)), ((), ())),
                               preferred_element_type=jnp.float32)
        te_t = te_t + bt_ref[...].reshape(HID, 1)
        nrm = jnp.sqrt(jnp.sum(te_t * te_t, axis=0, keepdims=True)) + 1e-12
        te_s[...] = te_t / nrm

    e = jnp.dot(img_ref[0], wi_ref[...],
                preferred_element_type=jnp.float32) + bi_ref[...]
    d4 = jnp.dot(e, te_s[...], preferred_element_type=jnp.float32)
    sel = lax.broadcasted_iota(jnp.int32, (1, B), 1) == b
    d = jnp.sum(jnp.where(sel, d4, 0.0), axis=1)
    nrow = jnp.sqrt(jnp.sum(e * e, axis=1)) + 1e-12
    out_ref[0, 0, :] = d / nrow


def _scores(img, txt, w_img, b_img, w_txt, b_txt):
    return pl.pallas_call(
        _scores_kernel,
        grid=(B, NT),
        in_specs=[
            pl.BlockSpec((1, TN, D_PATCH), lambda b, j: (b, j, 0)),
            pl.BlockSpec((B, D_PATCH), lambda b, j: (0, 0)),
            pl.BlockSpec((D_PATCH, HID), lambda b, j: (0, 0)),
            pl.BlockSpec((1, HID), lambda b, j: (0, 0)),
            pl.BlockSpec((D_PATCH, HID), lambda b, j: (0, 0)),
            pl.BlockSpec((1, HID), lambda b, j: (0, 0)),
        ],
        out_specs=pl.BlockSpec((1, 1, TN), lambda b, j: (b, 0, j)),
        out_shape=jax.ShapeDtypeStruct((B, 1, N), jnp.float32),
        scratch_shapes=[pltpu.VMEM((HID, B), jnp.float32)],
    )(img, txt, w_img, b_img, w_txt, b_txt)


def _thresh_kernel(s_ref, out_ref):
    bits = lax.bitcast_convert_type(s_ref[:, 0, :], jnp.int32)
    key = bits ^ ((bits >> 31) & jnp.int32(0x7FFFFFFF))

    def step(i, lo):
        t = lo + (jnp.int32(1) << (jnp.int32(31) - i))
        cnt = jnp.sum((key >= t).astype(jnp.int32), axis=1, keepdims=True)
        return jnp.where(cnt >= K_SAMPLE, t, lo)

    lo = jnp.full((B, 1), jnp.int32(-2**31))
    t = lax.fori_loop(0, 32, step, lo)
    tf = lax.bitcast_convert_type(
        jnp.where(t >= 0, t, t ^ jnp.int32(0x7FFFFFFF)), jnp.float32)
    out_ref[...] = jnp.broadcast_to(tf[:, :, None], (B, 1, 16))


def _thresholds(scores):
    return pl.pallas_call(
        _thresh_kernel,
        grid=(1,),
        in_specs=[pl.BlockSpec((B, 1, N), lambda i: (0, 0, 0))],
        out_specs=pl.BlockSpec((B, 1, 16), lambda i: (0, 0, 0)),
        out_shape=jax.ShapeDtypeStruct((B, 1, 16), jnp.float32),
    )(scores)


def _sc_compact_body(scores_h, thr_h, coords_h, img_h,
                     sp_h, spt_h, sx_h,
                     scores_v, thr_v, cx_v, cy_v,
                     idx_v, spx_v, spy_v, spi_v,
                     shared_idx, gidx_v, rows_v, sem):
    cid = lax.axis_index("c")
    sid = lax.axis_index("s")

    @pl.when(sid < B)
    def _():
        b = sid
        pltpu.sync_copy(scores_h.at[pl.ds(b * N, N)], scores_v)
        pltpu.sync_copy(thr_h.at[pl.ds(b * 16, 16)], thr_v)
        pltpu.sync_copy(coords_h.at[pl.ds((b * 2 + 0) * N, N)], cx_v)
        pltpu.sync_copy(coords_h.at[pl.ds((b * 2 + 1) * N, N)], cy_v)
        thr = thr_v[...]

        def step(v, base):
            s = scores_v[pl.ds(v * 16, 16)]
            m = s >= thr
            mi = m.astype(jnp.int32)
            pos = base + plsc.cumsum(mi) - 1
            valid = jnp.logical_and(m, pos < K_SAMPLE)
            lane = lax.iota(jnp.int32, 16) + v * 16
            plsc.store_scatter(idx_v, [pos], lane, mask=valid)
            return base + jnp.sum(mi)

        lax.fori_loop(0, N // 16, step, jnp.int32(0))

        def step2(v, carry):
            iv = idx_v[pl.ds(v * 16, 16)]
            gx = plsc.load_gather(cx_v, [iv])
            gy = plsc.load_gather(cy_v, [iv])
            spx_v[pl.ds(v * 16, 16)] = gx
            spy_v[pl.ds(v * 16, 16)] = gy
            two = (lax.iota(jnp.int32, 16) + v * 16) * 2
            plsc.store_scatter(spi_v, [two], gx)
            plsc.store_scatter(spi_v, [two + 1], gy)
            idx_v[pl.ds(v * 16, 16)] = iv + b * N
            return carry

        lax.fori_loop(0, K_SAMPLE // 16, step2, 0)
        pltpu.sync_copy(idx_v, shared_idx.at[pl.ds(b * K_SAMPLE, K_SAMPLE)])

        @pl.when(cid == 0)
        def _():
            pltpu.sync_copy(
                spx_v, sp_h.at[pl.ds((b * 2 + 0) * K_SAMPLE, K_SAMPLE)])
            pltpu.sync_copy(
                spy_v, sp_h.at[pl.ds((b * 2 + 1) * K_SAMPLE, K_SAMPLE)])
            pltpu.sync_copy(
                spi_v, spt_h.at[pl.ds(b * 2 * K_SAMPLE, 2 * K_SAMPLE)])

    plsc.subcore_barrier()

    wid = sid * 2 + cid
    base = wid * _ROWS_PER
    pltpu.sync_copy(shared_idx.at[pl.ds(base, _ROWS_PER)], gidx_v)
    pltpu.async_copy(img_h.at[gidx_v], rows_v, sem).wait()
    pltpu.sync_copy(rows_v, sx_h.at[pl.ds(base, _ROWS_PER)])


_GATHER_TILES = 32
_ROWS_PER = B * K_SAMPLE // _GATHER_TILES


def _sc_select_gather(scores_flat, thr_flat, coords_flat, img2d):
    mesh = plsc.VectorSubcoreMesh(core_axis_name="c", subcore_axis_name="s")
    fn = pl.kernel(
        _sc_compact_body,
        out_type=(
            jax.ShapeDtypeStruct((B * 2 * K_SAMPLE,), jnp.float32),
            jax.ShapeDtypeStruct((B * 2 * K_SAMPLE,), jnp.float32),
            jax.ShapeDtypeStruct((B * K_SAMPLE, D_PATCH), jnp.float32),
        ),
        mesh=mesh,
        compiler_params=pltpu.CompilerParams(needs_layout_passes=False),
        scratch_types=[
            pltpu.VMEM((N,), jnp.float32),
            pltpu.VMEM((16,), jnp.float32),
            pltpu.VMEM((N,), jnp.float32),
            pltpu.VMEM((N,), jnp.float32),
            pltpu.VMEM((K_SAMPLE,), jnp.int32),
            pltpu.VMEM((K_SAMPLE,), jnp.float32),
            pltpu.VMEM((K_SAMPLE,), jnp.float32),
            pltpu.VMEM((2 * K_SAMPLE,), jnp.float32),
            pltpu.VMEM_SHARED((B * K_SAMPLE,), jnp.int32),
            pltpu.VMEM((_ROWS_PER,), jnp.int32),
            pltpu.VMEM((_ROWS_PER, D_PATCH), jnp.float32),
            pltpu.SemaphoreType.DMA,
        ],
    )
    return fn(scores_flat, thr_flat, coords_flat, img2d)


def _gin_kernel(sx_ref, sp_ref, spt_ref,
                w1a_ref, b1a_ref, w1b_ref, b1b_ref,
                w2a_ref, b2a_ref, w2b_ref, b2b_ref,
                w3a_ref, b3a_ref, w3b_ref, b3b_ref,
                wa_ref, ba_ref, wb_ref, bb_ref, wc_ref,
                wr_ref, br_ref, wcls_ref, bcls_ref,
                out_ref):
    M = B * K_SAMPLE
    d2s = []
    for b in range(B):
        xrow = sp_ref[b, 0:1, :]
        yrow = sp_ref[b, 1:2, :]
        xcol = spt_ref[b, :, 0:1]
        ycol = spt_ref[b, :, 1:2]
        dx = xcol - xrow
        dy = ycol - yrow
        d2s.append(dx * dx + dy * dy)
    d2 = jnp.concatenate(d2s, axis=0)
    ii = lax.broadcasted_iota(jnp.int32, (M, K_SAMPLE), 0) % K_SAMPLE
    jj = lax.broadcasted_iota(jnp.int32, (M, K_SAMPLE), 1)
    d2 = jnp.where(ii == jj, jnp.float32(1e12), d2)

    adj = jnp.zeros((M, K_SAMPLE), jnp.float32)
    cur = d2
    for _ in range(KNN):
        m = jnp.min(cur, axis=1, keepdims=True)
        first_j = jnp.min(jnp.where(cur == m, jj, jnp.int32(2**30)),
                          axis=1, keepdims=True)
        sel = jj == first_j
        adj = jnp.where(sel, 1.0, adj)
        cur = jnp.where(sel, jnp.float32(1e30), cur)

    def agg(h):
        return jnp.concatenate(
            [jnp.dot(adj[b * K_SAMPLE:(b + 1) * K_SAMPLE],
                     h[b * K_SAMPLE:(b + 1) * K_SAMPLE],
                     preferred_element_type=jnp.float32)
             for b in range(B)], axis=0)

    y = jnp.dot(sx_ref[...], w1a_ref[...], preferred_element_type=jnp.float32)
    t1 = jax.nn.relu(y + agg(y) + b1a_ref[...])
    x1 = jax.nn.relu(
        jnp.dot(t1, w1b_ref[...], preferred_element_type=jnp.float32)
        + b1b_ref[...])

    t2 = jax.nn.relu(
        jnp.dot(x1 + agg(x1), w2a_ref[...],
                preferred_element_type=jnp.float32) + b2a_ref[...])
    x2 = jax.nn.relu(
        jnp.dot(t2, w2b_ref[...], preferred_element_type=jnp.float32)
        + b2b_ref[...])

    t3 = jax.nn.relu(
        jnp.dot(x2 + agg(x2), w3a_ref[...],
                preferred_element_type=jnp.float32) + b3a_ref[...])
    x3 = jax.nn.relu(
        jnp.dot(t3, w3b_ref[...], preferred_element_type=jnp.float32)
        + b3b_ref[...])

    a = jnp.tanh(
        jnp.dot(x3, wa_ref[...], preferred_element_type=jnp.float32)
        + ba_ref[...])
    g = jax.nn.sigmoid(
        jnp.dot(x3, wb_ref[...], preferred_element_type=jnp.float32)
        + bb_ref[...])
    att = jnp.sum(a * g * wc_ref[...], axis=1)[None, :]

    mx = jnp.max(att)
    e = jnp.exp(att - mx)
    p = e / jnp.sum(e)
    hp = jnp.dot(p, x3, preferred_element_type=jnp.float32)
    h = jax.nn.relu(
        jnp.dot(hp, wr_ref[...], preferred_element_type=jnp.float32)
        + br_ref[...])
    out_ref[...] = (jnp.dot(h, wcls_ref[...],
                            preferred_element_type=jnp.float32)
                    + bcls_ref[...])


def _gin(sx, sp, spt, w1a, b1a, w1b, b1b, w2a, b2a, w2b, b2b,
         w3a, b3a, w3b, b3b, wa, ba, wb, bb, wc_row,
         w_rho, b_rho, w_cls, b_cls):
    full = lambda shape: pl.BlockSpec(shape, lambda: (0,) * len(shape))
    return pl.pallas_call(
        _gin_kernel,
        grid=(),
        in_specs=[
            full((B * K_SAMPLE, D_PATCH)),
            full((B, 2, K_SAMPLE)),
            full((B, K_SAMPLE, 2)),
            full((D_PATCH, HID)), full((1, HID)),
            full((HID, HID)), full((1, HID)),
            full((HID, HID)), full((1, HID)),
            full((HID, HID)), full((1, HID)),
            full((HID, HID)), full((1, HID)),
            full((HID, HID)), full((1, HID)),
            full((HID, HID)), full((1, HID)),
            full((HID, HID)), full((1, HID)),
            full((1, HID)),
            full((HID, HID)), full((1, HID)),
            full((HID, 4)), full((1, 4)),
        ],
        out_specs=pl.BlockSpec((1, 4), lambda: (0, 0)),
        out_shape=jax.ShapeDtypeStruct((1, 4), jnp.float32),
    )(sx, sp, spt, w1a, b1a, w1b, b1b, w2a, b2a, w2b, b2b,
      w3a, b3a, w3b, b3b, wa, ba, wb, bb, wc_row,
      w_rho, b_rho, w_cls, b_cls)


def kernel(image_patch_features_batch, original_patch_coordinates_batch,
           text_feat_batch,
           W_img, b_img, W_txt, b_txt,
           W1a, b1a, W1b, b1b, W2a, b2a, W2b, b2b, W3a, b3a, W3b, b3b,
           Wa_att, ba_att, Wb_att, bb_att, Wc_att, bc_att,
           W_rho, b_rho, W_cls, b_cls):
    del bc_att
    img = image_patch_features_batch
    scores = _scores(img, text_feat_batch, W_img, b_img.reshape(1, HID),
                     W_txt, b_txt.reshape(1, HID))
    thr = _thresholds(scores)
    coords_flat = jnp.transpose(
        original_patch_coordinates_batch, (0, 2, 1)).reshape(-1)
    sp_flat, spt_flat, sx = _sc_select_gather(
        scores.reshape(-1), thr.reshape(-1), coords_flat,
        img.reshape(B * N, D_PATCH))
    return _gin(
        sx,
        sp_flat.reshape(B, 2, K_SAMPLE),
        spt_flat.reshape(B, K_SAMPLE, 2),
        W1a, b1a.reshape(1, HID), W1b, b1b.reshape(1, HID),
        W2a, b2a.reshape(1, HID), W2b, b2b.reshape(1, HID),
        W3a, b3a.reshape(1, HID), W3b, b3b.reshape(1, HID),
        Wa_att, ba_att.reshape(1, HID), Wb_att, bb_att.reshape(1, HID),
        Wc_att.reshape(1, HID),
        W_rho, b_rho.reshape(1, HID), W_cls, b_cls.reshape(1, 4))

# --- scband reference (transcript-rebuilt; emitter-appended) ---
"""Pipeline reference for scband-text-guided-gcn-10015863734394 (READ-ONLY COPY).

The authoritative reference and input builder live on the scoring server;
editing this copy changes nothing except your own understanding.
"""

import jax, jax.numpy as jnp
import numpy as np

B, N, D_PATCH, D_TEXT = 4, 8192, 1024, 1024
HID = 256
N_CLASSES = 4
K_SAMPLE = 512
KNN = 8


def _lin(key, din, dout):
    k1, k2 = jax.random.split(key)
    w = jax.random.normal(k1, (din, dout), jnp.float32) * 0.02
    b = jax.random.normal(k2, (dout,), jnp.float32) * 0.02
    return w, b


def setup_inputs(seed: int = 0) -> dict:
    key = jax.random.key(seed)
    ks = jax.random.split(key, 20)
    inp = {}
    inp["image_patch_features_batch"] = jax.random.normal(ks[0], (B, N, D_PATCH), jnp.float32)
    inp["original_patch_coordinates_batch"] = jax.random.uniform(ks[1], (B, N, 2), jnp.float32) * 1000.0
    inp["text_feat_batch"] = jax.random.normal(ks[2], (B, D_TEXT), jnp.float32)
    inp["W_img"], inp["b_img"] = _lin(ks[3], D_PATCH, HID)
    inp["W_txt"], inp["b_txt"] = _lin(ks[4], D_TEXT, HID)
    inp["W1a"], inp["b1a"] = _lin(ks[5], D_PATCH, HID)
    inp["W1b"], inp["b1b"] = _lin(ks[6], HID, HID)
    inp["W2a"], inp["b2a"] = _lin(ks[7], HID, HID)
    inp["W2b"], inp["b2b"] = _lin(ks[8], HID, HID)
    inp["W3a"], inp["b3a"] = _lin(ks[9], HID, HID)
    inp["W3b"], inp["b3b"] = _lin(ks[10], HID, HID)
    inp["Wa_att"], inp["ba_att"] = _lin(ks[11], HID, HID)
    inp["Wb_att"], inp["bb_att"] = _lin(ks[12], HID, HID)
    inp["Wc_att"], inp["bc_att"] = _lin(ks[13], HID, 1)
    inp["W_rho"], inp["b_rho"] = _lin(ks[14], HID, HID)
    inp["W_cls"], inp["b_cls"] = _lin(ks[15], HID, N_CLASSES)
    return inp


def _forward(img, coords, txt, W_img, b_img, W_txt, b_txt,
             W1a, b1a, W1b, b1b, W2a, b2a, W2b, b2b, W3a, b3a, W3b, b3b,
             Wa_att, ba_att, Wb_att, bb_att, Wc_att, bc_att,
             W_rho, b_rho, W_cls, b_cls):
    xs, srcs, tgts = [], [], []
    for i in range(B):
        # text-guided retrieval: project, L2-normalize, score, top-k
        ie = img[i] @ W_img + b_img
        ie = ie / (jnp.linalg.norm(ie, axis=1, keepdims=True) + 1e-12)
        te = txt[i] @ W_txt + b_txt
        te = te / (jnp.linalg.norm(te) + 1e-12)
        scores = ie @ te
        _, idx = jax.lax.top_k(scores, K_SAMPLE)
        sx = img[i][idx]
        sp = coords[i][idx]
        # knn_graph(k=8, loop=False) on 2D coords; edges neighbor->center
        d2 = jnp.sum((sp[:, None, :] - sp[None, :, :]) ** 2, axis=-1)
        d2 = d2 + jnp.eye(K_SAMPLE, dtype=d2.dtype) * 1e12
        _, nn_idx = jax.lax.top_k(-d2, KNN)
        src = nn_idx.reshape(-1) + i * K_SAMPLE
        tgt = jnp.repeat(jnp.arange(K_SAMPLE), KNN) + i * K_SAMPLE
        xs.append(sx)
        srcs.append(src)
        tgts.append(tgt)
    x = jnp.concatenate(xs, 0)
    src = jnp.concatenate(srcs, 0)
    tgt = jnp.concatenate(tgts, 0)
    M = B * K_SAMPLE

    def gin(h, Wa, ba, Wb, bb):
        # GINConv eps=0: mlp(x + sum_{j in N(i)} x_j)
        agg = jax.ops.segment_sum(h[src], tgt, num_segments=M)
        z = h + agg
        return jax.nn.relu(z @ Wa + ba) @ Wb + bb

    x1 = jax.nn.relu(gin(x, W1a, b1a, W1b, b1b))
    x2 = jax.nn.relu(gin(x1, W2a, b2a, W2b, b2b))
    x3 = jax.nn.relu(gin(x2, W3a, b3a, W3b, b3b))
    # Attn_Net_Gated pooling over all batched nodes (as Batch collapses graphs)
    a = jnp.tanh(x3 @ Wa_att + ba_att)
    g = jax.nn.sigmoid(x3 @ Wb_att + bb_att)
    A = ((a * g) @ Wc_att + bc_att).T  # [1, M]
    hp = jax.nn.softmax(A, axis=1) @ x3  # [1, HID]
    h = jax.nn.relu(hp @ W_rho + b_rho).squeeze()
    logits = (h @ W_cls + b_cls)[None, :]
    return logits


def reference(image_patch_features_batch, original_patch_coordinates_batch, text_feat_batch,
              W_img, b_img, W_txt, b_txt,
              W1a, b1a, W1b, b1b, W2a, b2a, W2b, b2b, W3a, b3a, W3b, b3b,
              Wa_att, ba_att, Wb_att, bb_att, Wc_att, bc_att,
              W_rho, b_rho, W_cls, b_cls):
    return _forward(
        image_patch_features_batch, original_patch_coordinates_batch, text_feat_batch,
        W_img, b_img, W_txt, b_txt,
        W1a, b1a, W1b, b1b,
        W2a, b2a, W2b, b2b,
        W3a, b3a, W3b, b3b,
        Wa_att, ba_att, Wb_att, bb_att, Wc_att, bc_att,
        W_rho, b_rho, W_cls, b_cls)

if __name__ == "__main__":
    import jax
    _d = setup_inputs()
    print(jax.jit(kernel)(*tuple(_d.values())))

</pallas_src>

<mosaic_0001>
#map = affine_map<(d0, d1) -> (0)>
#map1 = affine_map<(d0, d1) -> (0, 0)>
module attributes {stable_mosaic.version = 14 : i64} {
  func.func @_sc_compact_body(%arg0: i32, %arg1: i32, %arg2: memref<32768xf32, #tpu.memory_space<hbm>>, %arg3: memref<64xf32, #tpu.memory_space<hbm>>, %arg4: memref<65536xf32, #tpu.memory_space<hbm>>, %arg5: memref<32768x1024xf32, #tpu.memory_space<hbm>>, %arg6: memref<4096xf32, #tpu.memory_space<hbm>>, %arg7: memref<4096xf32, #tpu.memory_space<hbm>>, %arg8: memref<2048x1024xf32, #tpu.memory_space<hbm>>, %arg9: memref<8192xf32, #tpu.memory_space<vmem>>, %arg10: memref<16xf32, #tpu.memory_space<vmem>>, %arg11: memref<8192xf32, #tpu.memory_space<vmem>>, %arg12: memref<8192xf32, #tpu.memory_space<vmem>>, %arg13: memref<512xi32, #tpu.memory_space<vmem>>, %arg14: memref<512xf32, #tpu.memory_space<vmem>>, %arg15: memref<512xf32, #tpu.memory_space<vmem>>, %arg16: memref<1024xf32, #tpu.memory_space<vmem>>, %arg17: memref<2048xi32, #tpu.memory_space<vmem_shared>>, %arg18: memref<64xi32, #tpu.memory_space<vmem>>, %arg19: memref<64x1024xf32, #tpu.memory_space<vmem>>, %arg20: memref<!tpu.dma_semaphore, #tpu.memory_space<semaphore_mem>>) attributes {dimension_semantics = [#tpu.dimension_semantics<core_parallel>, #tpu.dimension_semantics<subcore_parallel>], iteration_bounds = array<i64: 2, 16>, scalar_prefetch = 0 : i64, scratch_operands = 12 : i64, tpu.core_type = #tpu.core_type<sc_vector_subcore>, window_params = [{transform_indices = #map}, {transform_indices = #map}, {transform_indices = #map}, {transform_indices = #map1}, {transform_indices = #map}, {transform_indices = #map}, {transform_indices = #map1}]} {
    %lt3A = arith.constant 4 : i32
    %lt3A_0 = arith.cmpi slt, %arg1, %lt3A : i32
    %convert_element_type3A = arith.extui %lt3A_0 : i1 to i32
    %cond3A = arith.constant 0 : i32
    %cond3A_1 = arith.cmpi ne, %convert_element_type3A, %cond3A : i32
    scf.if %cond3A_1 {
      %mul3A_9 = arith.constant 8192 : i32
      %mul3A_10 = arith.muli %arg1, %mul3A_9 : i32
      "tpu.region"() ({
        %run_scoped3A = tpu.sem_alloc : memref<!tpu.dma_semaphore, #tpu.memory_space<semaphore_mem>>
        %dma_start3A_44 = tpu.memref_slice %arg2[%mul3A_10] : memref<32768xf32, #tpu.memory_space<hbm>> -> memref<8192xf32, #tpu.memory_space<hbm>>
        %dma_start3A_45 = tpu.memref_slice %arg2[%mul3A_10] : memref<32768xf32, #tpu.memory_space<hbm>> -> memref<8192xf32, #tpu.memory_space<hbm>>
        tpu.enqueue_dma source(%dma_start3A_45 : memref<8192xf32, #tpu.memory_space<hbm>>) target(%arg9 : memref<8192xf32, #tpu.memory_space<vmem>>) target_semaphore(%run_scoped3A : memref<!tpu.dma_semaphore, #tpu.memory_space<semaphore_mem>>)
        %dma_wait3A_46 = tpu.memref_slice %arg2[%mul3A_10] : memref<32768xf32, #tpu.memory_space<hbm>> -> memref<8192xf32, #tpu.memory_space<hbm>>
        %dma_wait3A_47 = tpu.memref_slice %arg2[%mul3A_10] : memref<32768xf32, #tpu.memory_space<hbm>> -> memref<8192xf32, #tpu.memory_space<hbm>>
        tpu.wait_dma2 semaphore(%run_scoped3A : memref<!tpu.dma_semaphore, #tpu.memory_space<semaphore_mem>>) src(%dma_wait3A_47 : memref<8192xf32, #tpu.memory_space<hbm>>) dst(%arg9 : memref<8192xf32, #tpu.memory_space<vmem>>)
        tpu.yield
      }) : () -> ()
      %mul3A_11 = arith.constant 16 : i32
      %mul3A_12 = arith.muli %arg1, %mul3A_11 : i32
      "tpu.region"() ({
        %run_scoped3A = tpu.sem_alloc : memref<!tpu.dma_semaphore, #tpu.memory_space<semaphore_mem>>
        %dma_start3A_44 = tpu.memref_slice %arg3[%mul3A_12] : memref<64xf32, #tpu.memory_space<hbm>> -> memref<16xf32, #tpu.memory_space<hbm>>
        %dma_start3A_45 = tpu.memref_slice %arg3[%mul3A_12] : memref<64xf32, #tpu.memory_space<hbm>> -> memref<16xf32, #tpu.memory_space<hbm>>
        tpu.enqueue_dma source(%dma_start3A_45 : memref<16xf32, #tpu.memory_space<hbm>>) target(%arg10 : memref<16xf32, #tpu.memory_space<vmem>>) target_semaphore(%run_scoped3A : memref<!tpu.dma_semaphore, #tpu.memory_space<semaphore_mem>>)
        %dma_wait3A_46 = tpu.memref_slice %arg3[%mul3A_12] : memref<64xf32, #tpu.memory_space<hbm>> -> memref<16xf32, #tpu.memory_space<hbm>>
        %dma_wait3A_47 = tpu.memref_slice %arg3[%mul3A_12] : memref<64xf32, #tpu.memory_space<hbm>> -> memref<16xf32, #tpu.memory_space<hbm>>
        tpu.wait_dma2 semaphore(%run_scoped3A : memref<!tpu.dma_semaphore, #tpu.memory_space<semaphore_mem>>) src(%dma_wait3A_47 : memref<16xf32, #tpu.memory_space<hbm>>) dst(%arg10 : memref<16xf32, #tpu.memory_space<vmem>>)
        tpu.yield
      }) : () -> ()
      %mul3A_13 = arith.constant 2 : i32
      %mul3A_14 = arith.muli %arg1, %mul3A_13 : i32
      %add3A_15 = arith.constant 0 : i32
      %add3A_16 = arith.addi %mul3A_14, %add3A_15 : i32
      %mul3A_17 = arith.constant 8192 : i32
      %mul3A_18 = arith.muli %add3A_16, %mul3A_17 : i32
      "tpu.region"() ({
        %run_scoped3A = tpu.sem_alloc : memref<!tpu.dma_semaphore, #tpu.memory_space<semaphore_mem>>
        %dma_start3A_44 = tpu.memref_slice %arg4[%mul3A_18] : memref<65536xf32, #tpu.memory_space<hbm>> -> memref<8192xf32, #tpu.memory_space<hbm>>
        %dma_start3A_45 = tpu.memref_slice %arg4[%mul3A_18] : memref<65536xf32, #tpu.memory_space<hbm>> -> memref<8192xf32, #tpu.memory_space<hbm>>
        tpu.enqueue_dma source(%dma_start3A_45 : memref<8192xf32, #tpu.memory_space<hbm>>) target(%arg11 : memref<8192xf32, #tpu.memory_space<vmem>>) target_semaphore(%run_scoped3A : memref<!tpu.dma_semaphore, #tpu.memory_space<semaphore_mem>>)
        %dma_wait3A_46 = tpu.memref_slice %arg4[%mul3A_18] : memref<65536xf32, #tpu.memory_space<hbm>> -> memref<8192xf32, #tpu.memory_space<hbm>>
        %dma_wait3A_47 = tpu.memref_slice %arg4[%mul3A_18] : memref<65536xf32, #tpu.memory_space<hbm>> -> memref<8192xf32, #tpu.memory_space<hbm>>
        tpu.wait_dma2 semaphore(%run_scoped3A : memref<!tpu.dma_semaphore, #tpu.memory_space<semaphore_mem>>) src(%dma_wait3A_47 : memref<8192xf32, #tpu.memory_space<hbm>>) dst(%arg11 : memref<8192xf32, #tpu.memory_space<vmem>>)
        tpu.yield
      }) : () -> ()
      %mul3A_19 = arith.constant 2 : i32
      %mul3A_20 = arith.muli %arg1, %mul3A_19 : i32
      %add3A_21 = arith.constant 1 : i32
      %add3A_22 = arith.addi %mul3A_20, %add3A_21 : i32
      %mul3A_23 = arith.constant 8192 : i32
      %mul3A_24 = arith.muli %add3A_22, %mul3A_23 : i32
      "tpu.region"() ({
        %run_scoped3A = tpu.sem_alloc : memref<!tpu.dma_semaphore, #tpu.memory_space<semaphore_mem>>
        %dma_start3A_44 = tpu.memref_slice %arg4[%mul3A_24] : memref<65536xf32, #tpu.memory_space<hbm>> -> memref<8192xf32, #tpu.memory_space<hbm>>
        %dma_start3A_45 = tpu.memref_slice %arg4[%mul3A_24] : memref<65536xf32, #tpu.memory_space<hbm>> -> memref<8192xf32, #tpu.memory_space<hbm>>
        tpu.enqueue_dma source(%dma_start3A_45 : memref<8192xf32, #tpu.memory_space<hbm>>) target(%arg12 : memref<8192xf32, #tpu.memory_space<vmem>>) target_semaphore(%run_scoped3A : memref<!tpu.dma_semaphore, #tpu.memory_space<semaphore_mem>>)
        %dma_wait3A_46 = tpu.memref_slice %arg4[%mul3A_24] : memref<65536xf32, #tpu.memory_space<hbm>> -> memref<8192xf32, #tpu.memory_space<hbm>>
        %dma_wait3A_47 = tpu.memref_slice %arg4[%mul3A_24] : memref<65536xf32, #tpu.memory_space<hbm>> -> memref<8192xf32, #tpu.memory_space<hbm>>
        tpu.wait_dma2 semaphore(%run_scoped3A : memref<!tpu.dma_semaphore, #tpu.memory_space<semaphore_mem>>) src(%dma_wait3A_47 : memref<8192xf32, #tpu.memory_space<hbm>>) dst(%arg12 : memref<8192xf32, #tpu.memory_space<vmem>>)
        tpu.yield
      }) : () -> ()
      %get3A = arith.constant 0 : index
      %get3A_25 = tpu.vector_load %arg10[%get3A] {strides = array<i32>} : memref<16xf32, #tpu.memory_space<vmem>>, vector<16xf32>,
      %scan3A = arith.constant 0 : i32
      %scan3A_26 = arith.constant 0 : i32
      %scan3A_27 = arith.constant 512 : i32
      %scan3A_28 = arith.addi %scan3A_26, %scan3A_27 : i32
      %scan3A_29 = arith.constant 1 : i32
      %scan3A_30 = scf.for %scan3A_44 = %scan3A_26 to %scan3A_28 step %scan3A_29 iter_args(%scan3A_45 = %scan3A) -> (i32)  : i32 {
        %mul3A_46 = arith.constant 16 : i32
        %mul3A_47 = arith.muli %scan3A_44, %mul3A_46 : i32
        %get3A_48 = arith.index_cast %mul3A_47 : i32 to index
        %get3A_49 = tpu.vector_load %arg9[%get3A_48] {strides = array<i32>} : memref<8192xf32, #tpu.memory_space<vmem>>, vector<16xf32>,
        %ge3A = arith.cmpf oge, %get3A_49, %get3A_25 : vector<16xf32>
        %convert_element_type3A_50 = arith.extui %ge3A : vector<16xi1> to vector<16xi32>
        %broadcast_in_dim3A = arith.constant true
        %broadcast_in_dim3A_51 = vector.broadcast %broadcast_in_dim3A : i1 to vector<16xi1>
        %masked_cumsum3A = tpu.scan <sum>, %convert_element_type3A_50 masked %broadcast_in_dim3A_51 : vector<16xi32>, vector<16xi1> -> vector<16xi32>
        %add3A_52 = vector.broadcast %scan3A_45 : i32 to vector<16xi32>
        %add3A_53 = arith.addi %add3A_52, %masked_cumsum3A : vector<16xi32>
        %sub3A = arith.constant 1 : i32
        %sub3A_54 = vector.broadcast %sub3A : i32 to vector<16xi32>
        %sub3A_55 = arith.subi %add3A_53, %sub3A_54 : vector<16xi32>
        %lt3A_56 = arith.constant 512 : i32
        %lt3A_57 = vector.broadcast %lt3A_56 : i32 to vector<16xi32>
        %lt3A_58 = arith.cmpi slt, %sub3A_55, %lt3A_57 : vector<16xi32>
        %and3A = arith.andi %ge3A, %lt3A_58 : vector<16xi1>
        %iota3A = tpu.iota {dimensions = array<i32: 0>} : vector<16xi32>
        %mul3A_59 = arith.constant 16 : i32
        %mul3A_60 = arith.muli %scan3A_44, %mul3A_59 : i32
        %add3A_61 = vector.broadcast %mul3A_60 : i32 to vector<16xi32>
        %add3A_62 = arith.addi %iota3A, %add3A_61 : vector<16xi32>
        tpu.vector_store_idx %arg13[%sub3A_55], %add3A_62 masked %and3A : memref<512xi32, #tpu.memory_space<vmem>>[vector<16xi32>], vector<16xi32>, vector<16xi1>
        %reduce_sum3A = arith.constant true
        %reduce_sum3A_63 = vector.broadcast %reduce_sum3A : i1 to vector<16xi1>
        %reduce_sum3A_64 = tpu.scan <sum>, %convert_element_type3A_50 masked %reduce_sum3A_63 : vector<16xi32>, vector<16xi1> -> vector<16xi32>
        %reduce_sum3A_65 = vector.extract %reduce_sum3A_64[15] : i32 from vector<16xi32>
        %add3A_66 = arith.addi %scan3A_45, %reduce_sum3A_65 : i32
        scf.yield %add3A_66 : i32
      }
      %scan3A_31 = arith.constant 512 : i32
      %scan3A_32 = arith.constant 0 : i32
      %scan3A_33 = arith.constant 0 : i32
      %scan3A_34 = arith.constant 32 : i32
      %scan3A_35 = arith.addi %scan3A_33, %scan3A_34 : i32
      %scan3A_36 = arith.constant 1 : i32
      scf.for %scan3A_44 = %scan3A_33 to %scan3A_35 step %scan3A_36  : i32 {
        %mul3A_45 = arith.constant 16 : i32
        %mul3A_46 = arith.muli %scan3A_44, %mul3A_45 : i32
        %get3A_47 = arith.index_cast %mul3A_46 : i32 to index
        %get3A_48 = tpu.vector_load %arg13[%get3A_47] {strides = array<i32>} : memref<512xi32, #tpu.memory_space<vmem>>, vector<16xi32>,
        %gather3A = tpu.vector_load_idx %arg11[%get3A_48] : memref<8192xf32, #tpu.memory_space<vmem>>[vector<16xi32>], vector<16xf32>,
        %gather3A_49 = tpu.vector_load_idx %arg12[%get3A_48] : memref<8192xf32, #tpu.memory_space<vmem>>[vector<16xi32>], vector<16xf32>,
        %mul3A_50 = arith.constant 16 : i32
        %mul3A_51 = arith.muli %scan3A_44, %mul3A_50 : i32
        %swap3A = arith.index_cast %mul3A_51 : i32 to index
        %swap3A_52 = tpu.vector_load %arg14[%swap3A] {strides = array<i32>} : memref<512xf32, #tpu.memory_space<vmem>>, vector<16xf32>,
        tpu.vector_store %arg14[%swap3A], %gather3A {strides = array<i32>} : memref<512xf32, #tpu.memory_space<vmem>>, vector<16xf32>,
        %mul3A_53 = arith.constant 16 : i32
        %mul3A_54 = arith.muli %scan3A_44, %mul3A_53 : i32
        %swap3A_55 = arith.index_cast %mul3A_54 : i32 to index
        %swap3A_56 = tpu.vector_load %arg15[%swap3A_55] {strides = array<i32>} : memref<512xf32, #tpu.memory_space<vmem>>, vector<16xf32>,
        tpu.vector_store %arg15[%swap3A_55], %gather3A_49 {strides = array<i32>} : memref<512xf32, #tpu.memory_space<vmem>>, vector<16xf32>,
        %iota3A = tpu.iota {dimensions = array<i32: 0>} : vector<16xi32>
        %mul3A_57 = arith.constant 16 : i32
        %mul3A_58 = arith.muli %scan3A_44, %mul3A_57 : i32
        %add3A_59 = vector.broadcast %mul3A_58 : i32 to vector<16xi32>
        %add3A_60 = arith.addi %iota3A, %add3A_59 : vector<16xi32>
        %mul3A_61 = arith.constant 2 : i32
        %mul3A_62 = vector.broadcast %mul3A_61 : i32 to vector<16xi32>
        %mul3A_63 = arith.muli %add3A_60, %mul3A_62 : vector<16xi32>
        tpu.vector_store_idx %arg16[%mul3A_63], %gather3A : memref<1024xf32, #tpu.memory_space<vmem>>[vector<16xi32>], vector<16xf32>,
        %add3A_64 = arith.constant 1 : i32
        %add3A_65 = vector.broadcast %add3A_64 : i32 to vector<16xi32>
        %add3A_66 = arith.addi %mul3A_63, %add3A_65 : vector<16xi32>
        tpu.vector_store_idx %arg16[%add3A_66], %gather3A_49 : memref<1024xf32, #tpu.memory_space<vmem>>[vector<16xi32>], vector<16xf32>,
        %mul3A_67 = arith.constant 8192 : i32
        %mul3A_68 = arith.muli %arg1, %mul3A_67 : i32
        %add3A_69 = vector.broadcast %mul3A_68 : i32 to vector<16xi32>
        %add3A_70 = arith.addi %get3A_48, %add3A_69 : vector<16xi32>
        %mul3A_71 = arith.constant 16 : i32
        %mul3A_72 = arith.muli %scan3A_44, %mul3A_71 : i32
        %swap3A_73 = arith.index_cast %mul3A_72 : i32 to index
        %swap3A_74 = tpu.vector_load %arg13[%swap3A_73] {strides = array<i32>} : memref<512xi32, #tpu.memory_space<vmem>>, vector<16xi32>,
        tpu.vector_store %arg13[%swap3A_73], %add3A_70 {strides = array<i32>} : memref<512xi32, #tpu.memory_space<vmem>>, vector<16xi32>,
      }
      %scan3A_37 = arith.constant 32 : i32
      %mul3A_38 = arith.constant 512 : i32
      %mul3A_39 = arith.muli %arg1, %mul3A_38 : i32
      "tpu.region"() ({
        %run_scoped3A = tpu.sem_alloc : memref<!tpu.dma_semaphore, #tpu.memory_space<semaphore_mem>>
        %dma_start3A_44 = tpu.memref_slice %arg17[%mul3A_39] : memref<2048xi32, #tpu.memory_space<vmem_shared>> -> memref<512xi32, #tpu.memory_space<vmem_shared>>
        %dma_start3A_45 = tpu.memref_slice %arg17[%mul3A_39] : memref<2048xi32, #tpu.memory_space<vmem_shared>> -> memref<512xi32, #tpu.memory_space<vmem_shared>>
        tpu.enqueue_dma source(%arg13 : memref<512xi32, #tpu.memory_space<vmem>>) target(%dma_start3A_45 : memref<512xi32, #tpu.memory_space<vmem_shared>>) target_semaphore(%run_scoped3A : memref<!tpu.dma_semaphore, #tpu.memory_space<semaphore_mem>>)
        %dma_wait3A_46 = tpu.memref_slice %arg17[%mul3A_39] : memref<2048xi32, #tpu.memory_space<vmem_shared>> -> memref<512xi32, #tpu.memory_space<vmem_shared>>
        %dma_wait3A_47 = tpu.memref_slice %arg17[%mul3A_39] : memref<2048xi32, #tpu.memory_space<vmem_shared>> -> memref<512xi32, #tpu.memory_space<vmem_shared>>
        tpu.wait_dma2 semaphore(%run_scoped3A : memref<!tpu.dma_semaphore, #tpu.memory_space<semaphore_mem>>) src(%arg13 : memref<512xi32, #tpu.memory_space<vmem>>) dst(%dma_wait3A_47 : memref<512xi32, #tpu.memory_space<vmem_shared>>)
        tpu.yield
      }) : () -> ()
      %eq3A = arith.constant 0 : i32
      %eq3A_40 = arith.cmpi eq, %arg0, %eq3A : i32
      %convert_element_type3A_41 = arith.extui %eq3A_40 : i1 to i32
      %cond3A_42 = arith.constant 0 : i32
      %cond3A_43 = arith.cmpi ne, %convert_element_type3A_41, %cond3A_42 : i32
      scf.if %cond3A_43 {
        %mul3A_44 = arith.constant 2 : i32
        %mul3A_45 = arith.muli %arg1, %mul3A_44 : i32
        %add3A_46 = arith.constant 0 : i32
        %add3A_47 = arith.addi %mul3A_45, %add3A_46 : i32
        %mul3A_48 = arith.constant 512 : i32
        %mul3A_49 = arith.muli %add3A_47, %mul3A_48 : i32
        "tpu.region"() ({
          %run_scoped3A = tpu.sem_alloc : memref<!tpu.dma_semaphore, #tpu.memory_space<semaphore_mem>>
          %dma_start3A_60 = tpu.memref_slice %arg6[%mul3A_49] : memref<4096xf32, #tpu.memory_space<hbm>> -> memref<512xf32, #tpu.memory_space<hbm>>
          %dma_start3A_61 = tpu.memref_slice %arg6[%mul3A_49] : memref<4096xf32, #tpu.memory_space<hbm>> -> memref<512xf32, #tpu.memory_space<hbm>>
          tpu.enqueue_dma source(%arg14 : memref<512xf32, #tpu.memory_space<vmem>>) target(%dma_start3A_61 : memref<512xf32, #tpu.memory_space<hbm>>) target_semaphore(%run_scoped3A : memref<!tpu.dma_semaphore, #tpu.memory_space<semaphore_mem>>)
          %dma_wait3A_62 = tpu.memref_slice %arg6[%mul3A_49] : memref<4096xf32, #tpu.memory_space<hbm>> -> memref<512xf32, #tpu.memory_space<hbm>>
          %dma_wait3A_63 = tpu.memref_slice %arg6[%mul3A_49] : memref<4096xf32, #tpu.memory_space<hbm>> -> memref<512xf32, #tpu.memory_space<hbm>>
          tpu.wait_dma2 semaphore(%run_scoped3A : memref<!tpu.dma_semaphore, #tpu.memory_space<semaphore_mem>>) src(%arg14 : memref<512xf32, #tpu.memory_space<vmem>>) dst(%dma_wait3A_63 : memref<512xf32, #tpu.memory_space<hbm>>)
          tpu.yield
        }) : () -> ()
        %mul3A_50 = arith.constant 2 : i32
        %mul3A_51 = arith.muli %arg1, %mul3A_50 : i32
        %add3A_52 = arith.constant 1 : i32
        %add3A_53 = arith.addi %mul3A_51, %add3A_52 : i32
        %mul3A_54 = arith.constant 512 : i32
        %mul3A_55 = arith.muli %add3A_53, %mul3A_54 : i32
        "tpu.region"() ({
          %run_scoped3A = tpu.sem_alloc : memref<!tpu.dma_semaphore, #tpu.memory_space<semaphore_mem>>
          %dma_start3A_60 = tpu.memref_slice %arg6[%mul3A_55] : memref<4096xf32, #tpu.memory_space<hbm>> -> memref<512xf32, #tpu.memory_space<hbm>>
          %dma_start3A_61 = tpu.memref_slice %arg6[%mul3A_55] : memref<4096xf32, #tpu.memory_space<hbm>> -> memref<512xf32, #tpu.memory_space<hbm>>
          tpu.enqueue_dma source(%arg15 : memref<512xf32, #tpu.memory_space<vmem>>) target(%dma_start3A_61 : memref<512xf32, #tpu.memory_space<hbm>>) target_semaphore(%run_scoped3A : memref<!tpu.dma_semaphore, #tpu.memory_space<semaphore_mem>>)
          %dma_wait3A_62 = tpu.memref_slice %arg6[%mul3A_55] : memref<4096xf32, #tpu.memory_space<hbm>> -> memref<512xf32, #tpu.memory_space<hbm>>
          %dma_wait3A_63 = tpu.memref_slice %arg6[%mul3A_55] : memref<4096xf32, #tpu.memory_space<hbm>> -> memref<512xf32, #tpu.memory_space<hbm>>
          tpu.wait_dma2 semaphore(%run_scoped3A : memref<!tpu.dma_semaphore, #tpu.memory_space<semaphore_mem>>) src(%arg15 : memref<512xf32, #tpu.memory_space<vmem>>) dst(%dma_wait3A_63 : memref<512xf32, #tpu.memory_space<hbm>>)
          tpu.yield
        }) : () -> ()
        %mul3A_56 = arith.constant 2 : i32
        %mul3A_57 = arith.muli %arg1, %mul3A_56 : i32
        %mul3A_58 = arith.constant 512 : i32
        %mul3A_59 = arith.muli %mul3A_57, %mul3A_58 : i32
        "tpu.region"() ({
          %run_scoped3A = tpu.sem_alloc : memref<!tpu.dma_semaphore, #tpu.memory_space<semaphore_mem>>
          %dma_start3A_60 = tpu.memref_slice %arg7[%mul3A_59] : memref<4096xf32, #tpu.memory_space<hbm>> -> memref<1024xf32, #tpu.memory_space<hbm>>
          %dma_start3A_61 = tpu.memref_slice %arg7[%mul3A_59] : memref<4096xf32, #tpu.memory_space<hbm>> -> memref<1024xf32, #tpu.memory_space<hbm>>
          tpu.enqueue_dma source(%arg16 : memref<1024xf32, #tpu.memory_space<vmem>>) target(%dma_start3A_61 : memref<1024xf32, #tpu.memory_space<hbm>>) target_semaphore(%run_scoped3A : memref<!tpu.dma_semaphore, #tpu.memory_space<semaphore_mem>>)
          %dma_wait3A_62 = tpu.memref_slice %arg7[%mul3A_59] : memref<4096xf32, #tpu.memory_space<hbm>> -> memref<1024xf32, #tpu.memory_space<hbm>>
          %dma_wait3A_63 = tpu.memref_slice %arg7[%mul3A_59] : memref<4096xf32, #tpu.memory_space<hbm>> -> memref<1024xf32, #tpu.memory_space<hbm>>
          tpu.wait_dma2 semaphore(%run_scoped3A : memref<!tpu.dma_semaphore, #tpu.memory_space<semaphore_mem>>) src(%arg16 : memref<1024xf32, #tpu.memory_space<vmem>>) dst(%dma_wait3A_63 : memref<1024xf32, #tpu.memory_space<hbm>>)
          tpu.yield
        }) : () -> ()
      } else {
      }
    } else {
    }
    %barrier3A = arith.constant 0 : index
    tpu.barrier barrier_id(%barrier3A)
    %mul3A = arith.constant 2 : i32
    %mul3A_2 = arith.muli %arg1, %mul3A : i32
    %add3A = arith.addi %mul3A_2, %arg0 : i32
    %mul3A_3 = arith.constant 64 : i32
    %mul3A_4 = arith.muli %add3A, %mul3A_3 : i32
    "tpu.region"() ({
      %run_scoped3A = tpu.sem_alloc : memref<!tpu.dma_semaphore, #tpu.memory_space<semaphore_mem>>
      %dma_start3A_9 = tpu.memref_slice %arg17[%mul3A_4] : memref<2048xi32, #tpu.memory_space<vmem_shared>> -> memref<64xi32, #tpu.memory_space<vmem_shared>>
      %dma_start3A_10 = tpu.memref_slice %arg17[%mul3A_4] : memref<2048xi32, #tpu.memory_space<vmem_shared>> -> memref<64xi32, #tpu.memory_space<vmem_shared>>
      tpu.enqueue_dma source(%dma_start3A_10 : memref<64xi32, #tpu.memory_space<vmem_shared>>) target(%arg18 : memref<64xi32, #tpu.memory_space<vmem>>) target_semaphore(%run_scoped3A : memref<!tpu.dma_semaphore, #tpu.memory_space<semaphore_mem>>)
      %dma_wait3A_11 = tpu.memref_slice %arg17[%mul3A_4] : memref<2048xi32, #tpu.memory_space<vmem_shared>> -> memref<64xi32, #tpu.memory_space<vmem_shared>>
      %dma_wait3A_12 = tpu.memref_slice %arg17[%mul3A_4] : memref<2048xi32, #tpu.memory_space<vmem_shared>> -> memref<64xi32, #tpu.memory_space<vmem_shared>>
      tpu.wait_dma2 semaphore(%run_scoped3A : memref<!tpu.dma_semaphore, #tpu.memory_space<semaphore_mem>>) src(%dma_wait3A_12 : memref<64xi32, #tpu.memory_space<vmem_shared>>) dst(%arg18 : memref<64xi32, #tpu.memory_space<vmem>>)
      tpu.yield
    }) : () -> ()
    %dma_start3A = arith.constant 0 : i32
    %dma_start3A_5 = arith.constant 0 : i32
    %dma_start3A_6 = tpu.memref_slice %arg5[%dma_start3A, %dma_start3A_5] : memref<32768x1024xf32, #tpu.memory_space<hbm>> -> memref<32768x1024xf32, #tpu.memory_space<hbm>>
    tpu.enqueue_indirect_dma source(%dma_start3A_6 : memref<32768x1024xf32, #tpu.memory_space<hbm>>) target(%arg19 : memref<64x1024xf32, #tpu.memory_space<vmem>>) offsets(%arg18 : memref<64xi32, #tpu.memory_space<vmem>>) semaphore(%arg20 : memref<!tpu.dma_semaphore, #tpu.memory_space<semaphore_mem>>)
    %dma_wait3A = arith.constant 0 : i32
    %dma_wait3A_7 = arith.constant 0 : i32
    %dma_wait3A_8 = tpu.memref_slice %arg5[%dma_wait3A, %dma_wait3A_7] : memref<32768x1024xf32, #tpu.memory_space<hbm>> -> memref<32768x1024xf32, #tpu.memory_space<hbm>>
    tpu.wait_indirect_dma semaphore(%arg20 : memref<!tpu.dma_semaphore, #tpu.memory_space<semaphore_mem>>) src(%dma_wait3A_8 : memref<32768x1024xf32, #tpu.memory_space<hbm>>) dst(%arg19 : memref<64x1024xf32, #tpu.memory_space<vmem>>)
    "tpu.region"() ({
      %run_scoped3A = tpu.sem_alloc : memref<!tpu.dma_semaphore, #tpu.memory_space<semaphore_mem>>
      %dma_start3A_9 = arith.constant 0 : i32
      %dma_start3A_10 = tpu.memref_slice %arg8[%mul3A_4, %dma_start3A_9] : memref<2048x1024xf32, #tpu.memory_space<hbm>> -> memref<64x1024xf32, #tpu.memory_space<hbm>>
      %dma_start3A_11 = arith.constant 0 : i32
      %dma_start3A_12 = tpu.memref_slice %arg8[%mul3A_4, %dma_start3A_11] : memref<2048x1024xf32, #tpu.memory_space<hbm>> -> memref<64x1024xf32, #tpu.memory_space<hbm>>
      tpu.enqueue_dma source(%arg19 : memref<64x1024xf32, #tpu.memory_space<vmem>>) target(%dma_start3A_12 : memref<64x1024xf32, #tpu.memory_space<hbm>>) target_semaphore(%run_scoped3A : memref<!tpu.dma_semaphore, #tpu.memory_space<semaphore_mem>>)
      %dma_wait3A_13 = arith.constant 0 : i32
      %dma_wait3A_14 = tpu.memref_slice %arg8[%mul3A_4, %dma_wait3A_13] : memref<2048x1024xf32, #tpu.memory_space<hbm>> -> memref<64x1024xf32, #tpu.memory_space<hbm>>
      %dma_wait3A_15 = arith.constant 0 : i32
      %dma_wait3A_16 = tpu.memref_slice %arg8[%mul3A_4, %dma_wait3A_15] : memref<2048x1024xf32, #tpu.memory_space<hbm>> -> memref<64x1024xf32, #tpu.memory_space<hbm>>
      tpu.wait_dma2 semaphore(%run_scoped3A : memref<!tpu.dma_semaphore, #tpu.memory_space<semaphore_mem>>) src(%arg19 : memref<64x1024xf32, #tpu.memory_space<vmem>>) dst(%dma_wait3A_16 : memref<64x1024xf32, #tpu.memory_space<hbm>>)
      tpu.yield
    }) : () -> ()
    return
  }
}

module attributes {stable_mosaic.version = 14 : i64} {
  func.func @_thresh_kernel(%arg0: i32, %arg1: memref<4x1x8192xf32, #tpu.memory_space<vmem>>, %arg2: memref<4x1x16xf32, #tpu.memory_space<vmem>>) attributes {dimension_semantics = [#tpu.dimension_semantics<arbitrary>], iteration_bounds = array<i64: 1>, scalar_prefetch = 0 : i64, scratch_operands = 0 : i64, tpu.core_type = #tpu.core_type<tc>, window_params = [{pipeline_mode = #tpu.pipeline_mode<synchronous>, transform_indices = @transform_0, window_bounds = array<i64: 4, 1, 8192>}, {pipeline_mode = #tpu.pipeline_mode<synchronous>, transform_indices = @transform_1, window_bounds = array<i64: 4, 1, 16>}]} {
    %get3A = arith.constant 0 : index
    %get3A_0 = arith.constant 0 : index
    %get3A_1 = arith.constant 0 : index
    %get3A_2 = vector.load %arg1[%get3A, %get3A_0, %get3A_1] : memref<4x1x8192xf32, #tpu.memory_space<vmem>>, vector<4x1x8192xf32>
    %get3A_3 = vector.shape_cast %get3A_2 : vector<4x1x8192xf32> to vector<4x8192xf32>
    %bitcast_convert_type3A = tpu.bitcast %get3A_3 : vector<4x8192xf32> -> vector<4x8192xi32>
    %shift_right_arithmetic3A = arith.constant 31 : i32
    %shift_right_arithmetic3A_4 = vector.broadcast %shift_right_arithmetic3A : i32 to vector<4x8192xi32>
    %shift_right_arithmetic3A_5 = arith.shrsi %bitcast_convert_type3A, %shift_right_arithmetic3A_4 : vector<4x8192xi32>
    %and3A = arith.constant 2147483647 : i32
    %and3A_6 = vector.broadcast %and3A : i32 to vector<4x8192xi32>
    %and3A_7 = arith.andi %shift_right_arithmetic3A_5, %and3A_6 : vector<4x8192xi32>
    %xor3A = arith.xori %bitcast_convert_type3A, %and3A_7 : vector<4x8192xi32>
    %broadcast_in_dim3A = arith.constant -2147483648 : i32
    %broadcast_in_dim3A_8 = vector.broadcast %broadcast_in_dim3A : i32 to vector<4x1xi32>
    %scan3A = arith.constant 0 : i32
    %scan3A_9 = arith.constant 32 : i32
    %scan3A_10 = arith.addi %scan3A, %scan3A_9 : i32
    %scan3A_11 = arith.constant 1 : i32
    %scan3A_12 = scf.for %scan3A_26 = %scan3A to %scan3A_10 step %scan3A_11 iter_args(%scan3A_27 = %broadcast_in_dim3A_8) -> (vector<4x1xi32>)  : i32 {
      %sub3A = arith.constant 31 : i32
      %sub3A_28 = arith.subi %sub3A, %scan3A_26 : i32
      %shift_left3A = arith.constant 1 : i32
      %shift_left3A_29 = arith.shli %shift_left3A, %sub3A_28 : i32
      %add3A = vector.broadcast %shift_left3A_29 : i32 to vector<4x1xi32>
      %add3A_30 = arith.addi %scan3A_27, %add3A : vector<4x1xi32>
      %ge3A_31 = vector.broadcast %add3A_30 : vector<4x1xi32> to vector<4x8192xi32>
      %ge3A_32 = arith.cmpi sge, %xor3A, %ge3A_31 : vector<4x8192xi32>
      %convert_element_type3A = arith.extui %ge3A_32 : vector<4x8192xi1> to vector<4x8192xi32>
      %reduce_sum3A = arith.constant dense<0> : vector<4xi32>
      %reduce_sum3A_33 = vector.multi_reduction <add>, %convert_element_type3A, %reduce_sum3A [1] : vector<4x8192xi32> to vector<4xi32>
      %broadcast_in_dim3A_34 = vector.shape_cast %reduce_sum3A_33 : vector<4xi32> to vector<4x1xi32>
      %ge3A_35 = arith.constant 512 : i32
      %ge3A_36 = vector.broadcast %ge3A_35 : i32 to vector<4x1xi32>
      %ge3A_37 = arith.cmpi sge, %broadcast_in_dim3A_34, %ge3A_36 : vector<4x1xi32>
      %select_n3A_38 = arith.select %ge3A_37, %add3A_30, %scan3A_27 : vector<4x1xi1>, vector<4x1xi32>
      scf.yield %select_n3A_38 : vector<4x1xi32>
    }
    %scan3A_13 = arith.constant 32 : i32
    %ge3A = arith.constant 0 : i32
    %ge3A_14 = vector.broadcast %ge3A : i32 to vector<4x1xi32>
    %ge3A_15 = arith.cmpi sge, %scan3A_12, %ge3A_14 : vector<4x1xi32>
    %xor3A_16 = arith.constant 2147483647 : i32
    %xor3A_17 = vector.broadcast %xor3A_16 : i32 to vector<4x1xi32>
    %xor3A_18 = arith.xori %scan3A_12, %xor3A_17 : vector<4x1xi32>
    %select_n3A = arith.select %ge3A_15, %scan3A_12, %xor3A_18 : vector<4x1xi1>, vector<4x1xi32>
    %bitcast_convert_type3A_19 = tpu.bitcast %select_n3A : vector<4x1xi32> -> vector<4x1xf32>
    %broadcast_in_dim3A_20 = vector.shape_cast %bitcast_convert_type3A_19 : vector<4x1xf32> to vector<4x1x1xf32>
    %broadcast_in_dim3A_21 = vector.shape_cast %broadcast_in_dim3A_20 : vector<4x1x1xf32> to vector<4x1x1xf32>
    %broadcast_in_dim3A_22 = vector.broadcast %broadcast_in_dim3A_21 : vector<4x1x1xf32> to vector<4x1x16xf32>
    %swap3A = arith.constant 0 : index
    %swap3A_23 = arith.constant 0 : index
    %swap3A_24 = arith.constant 0 : index
    %swap3A_25 = vector.load %arg2[%swap3A, %swap3A_23, %swap3A_24] : memref<4x1x16xf32, #tpu.memory_space<vmem>>, vector<4x1x16xf32>
    tpu.vector_store %arg2[%swap3A, %swap3A_23, %swap3A_24], %broadcast_in_dim3A_22 {strides = array<i32>} : memref<4x1x16xf32, #tpu.memory_space<vmem>>, vector<4x1x16xf32>,
    return
  }
  func.func @transform_0(%arg0: i32) -> (i32, i32, i32) {
    %c0_i32 = arith.constant 0 : i32
    %c0_i32_0 = arith.constant 0 : i32
    %c0_i32_1 = arith.constant 0 : i32
    %c0_i32_2 = arith.constant 0 : i32
    return %c0_i32, %c0_i32_0, %c0_i32_1 : i32, i32, i32
  }
  func.func @transform_1(%arg0: i32) -> (i32, i32, i32) {
    %c0_i32 = arith.constant 0 : i32
    %c0_i32_0 = arith.constant 0 : i32
    %c0_i32_1 = arith.constant 0 : i32
    %c0_i32_2 = arith.constant 0 : i32
    return %c0_i32, %c0_i32_0, %c0_i32_1 : i32, i32, i32
  }
}

module attributes {stable_mosaic.version = 14 : i64} {
  func.func @_scores_kernel(%arg0: i32, %arg1: i32, %arg2: memref<1x2048x1024xf32, #tpu.memory_space<vmem>>, %arg3: memref<4x1024xf32, #tpu.memory_space<vmem>>, %arg4: memref<1024x256xf32, #tpu.memory_space<vmem>>, %arg5: memref<1x256xf32, #tpu.memory_space<vmem>>, %arg6: memref<1024x256xf32, #tpu.memory_space<vmem>>, %arg7: memref<1x256xf32, #tpu.memory_space<vmem>>, %arg8: memref<1x1x2048xf32, #tpu.memory_space<vmem>>, %arg9: memref<256x4xf32, #tpu.memory_space<vmem>>) attributes {dimension_semantics = [#tpu.dimension_semantics<arbitrary>, #tpu.dimension_semantics<arbitrary>], iteration_bounds = array<i64: 4, 4>, scalar_prefetch = 0 : i64, scratch_operands = 1 : i64, tpu.core_type = #tpu.core_type<tc>, window_params = [{transform_indices = @transform_0, window_bounds = array<i64: 1, 2048, 1024>}, {pipeline_mode = #tpu.pipeline_mode<synchronous>, transform_indices = @transform_1, window_bounds = array<i64: 4, 1024>}, {pipeline_mode = #tpu.pipeline_mode<synchronous>, transform_indices = @transform_2, window_bounds = array<i64: 1024, 256>}, {pipeline_mode = #tpu.pipeline_mode<synchronous>, transform_indices = @transform_3, window_bounds = array<i64: 1, 256>}, {pipeline_mode = #tpu.pipeline_mode<synchronous>, transform_indices = @transform_4, window_bounds = array<i64: 1024, 256>}, {pipeline_mode = #tpu.pipeline_mode<synchronous>, transform_indices = @transform_5, window_bounds = array<i64: 1, 256>}, {transform_indices = @transform_6, window_bounds = array<i64: 1, 1, 2048>}]} {
    %eq3A = arith.constant 0 : i32
    %eq3A_0 = arith.cmpi eq, %arg0, %eq3A : i32
    %eq3A_1 = arith.constant 0 : i32
    %eq3A_2 = arith.cmpi eq, %arg1, %eq3A_1 : i32
    %and3A = arith.andi %eq3A_0, %eq3A_2 : i1
    %convert_element_type3A = arith.extui %and3A : i1 to i32
    %cond3A = arith.constant 0 : i32
    %cond3A_3 = arith.cmpi ne, %convert_element_type3A, %cond3A : i32
    scf.if %cond3A_3 {
      %get3A_36 = arith.constant 0 : index
      %get3A_37 = arith.constant 0 : index
      %get3A_38 = vector.load %arg6[%get3A_36, %get3A_37] : memref<1024x256xf32, #tpu.memory_space<vmem>>, vector<1024x256xf32>
      %get3A_39 = arith.constant 0 : index
      %get3A_40 = arith.constant 0 : index
      %get3A_41 = vector.load %arg3[%get3A_39, %get3A_40] : memref<4x1024xf32, #tpu.memory_space<vmem>>, vector<4x1024xf32>
      %dot_general3A_42 = arith.constant dense<0.000000e+00> : vector<256x4xf32>
      %dot_general3A_43 = tpu.matmul %get3A_38, %get3A_41, %dot_general3A_42 {dimension_numbers = #tpu.dot_dimension_numbers<[0], [1], [1], [0], [0, 1, 1, 0], [], []>, transpose_lhs_hint = false} : vector<1024x256xf32>, vector<4x1024xf32>, vector<256x4xf32> -> vector<256x4xf32>
      %get3A_44 = arith.constant 0 : index
      %get3A_45 = arith.constant 0 : index
      %get3A_46 = vector.load %arg7[%get3A_44, %get3A_45] : memref<1x256xf32, #tpu.memory_space<vmem>>, vector<1x256xf32>
      %reshape3A = vector.shape_cast %get3A_46 : vector<1x256xf32> to vector<256x1xf32>
      %add3A_47 = vector.broadcast %reshape3A : vector<256x1xf32> to vector<256x4xf32>
      %add3A_48 = arith.addf %dot_general3A_43, %add3A_47 : vector<256x4xf32>
      %mul3A_49 = arith.mulf %add3A_48, %add3A_48 : vector<256x4xf32>
      %reduce_sum3A_50 = arith.constant dense<0.000000e+00> : vector<4xf32>
      %reduce_sum3A_51 = vector.multi_reduction <add>, %mul3A_49, %reduce_sum3A_50 [0] : vector<256x4xf32> to vector<4xf32>
      %broadcast_in_dim3A_52 = vector.shape_cast %reduce_sum3A_51 : vector<4xf32> to vector<1x4xf32>
      %sqrt3A_53 = math.sqrt %broadcast_in_dim3A_52 : vector<1x4xf32>
      %add3A_54 = arith.constant 9.99999996E-13 : f32
      %add3A_55 = vector.broadcast %add3A_54 : f32 to vector<1x4xf32>
      %add3A_56 = arith.addf %sqrt3A_53, %add3A_55 : vector<1x4xf32>
      %div3A_57 = vector.broadcast %add3A_56 : vector<1x4xf32> to vector<256x4xf32>
      %div3A_58 = arith.divf %add3A_48, %div3A_57 : vector<256x4xf32>
      %swap3A_59 = arith.constant 0 : index
      %swap3A_60 = arith.constant 0 : index
      %swap3A_61 = vector.load %arg9[%swap3A_59, %swap3A_60] : memref<256x4xf32, #tpu.memory_space<vmem>>, vector<256x4xf32>
      tpu.vector_store %arg9[%swap3A_59, %swap3A_60], %div3A_58 {strides = array<i32>} : memref<256x4xf32, #tpu.memory_space<vmem>>, vector<256x4xf32>,
    } else {
    }
    %get3A = arith.constant 0 : index
    %get3A_4 = arith.constant 0 : index
    %get3A_5 = arith.constant 0 : index
    %get3A_6 = vector.load %arg2[%get3A, %get3A_4, %get3A_5] : memref<1x2048x1024xf32, #tpu.memory_space<vmem>>, vector<1x2048x1024xf32>
    %get3A_7 = vector.shape_cast %get3A_6 : vector<1x2048x1024xf32> to vector<2048x1024xf32>
    %get3A_8 = arith.constant 0 : index
    %get3A_9 = arith.constant 0 : index
    %get3A_10 = vector.load %arg4[%get3A_8, %get3A_9] : memref<1024x256xf32, #tpu.memory_space<vmem>>, vector<1024x256xf32>
    %dot_general3A = arith.constant dense<0.000000e+00> : vector<2048x256xf32>
    %dot_general3A_11 = tpu.matmul %get3A_7, %get3A_10, %dot_general3A {dimension_numbers = #tpu.dot_dimension_numbers<[1], [0], [0], [1], [0, 0, 1, 1], [], []>, transpose_lhs_hint = false} : vector<2048x1024xf32>, vector<1024x256xf32>, vector<2048x256xf32> -> vector<2048x256xf32>
    %get3A_12 = arith.constant 0 : index
    %get3A_13 = arith.constant 0 : index
    %get3A_14 = vector.load %arg5[%get3A_12, %get3A_13] : memref<1x256xf32, #tpu.memory_space<vmem>>, vector<1x256xf32>
    %add3A = vector.broadcast %get3A_14 : vector<1x256xf32> to vector<2048x256xf32>
    %add3A_15 = arith.addf %dot_general3A_11, %add3A : vector<2048x256xf32>
    %get3A_16 = arith.constant 0 : index
    %get3A_17 = arith.constant 0 : index
    %get3A_18 = vector.load %arg9[%get3A_16, %get3A_17] : memref<256x4xf32, #tpu.memory_space<vmem>>, vector<256x4xf32>
    %dot_general3A_19 = arith.constant dense<0.000000e+00> : vector<2048x4xf32>
    %dot_general3A_20 = tpu.matmul %add3A_15, %get3A_18, %dot_general3A_19 {dimension_numbers = #tpu.dot_dimension_numbers<[1], [0], [0], [1], [0, 0, 1, 1], [], []>, transpose_lhs_hint = false} : vector<2048x256xf32>, vector<256x4xf32>, vector<2048x4xf32> -> vector<2048x4xf32>
    %iota3A = tpu.iota {dimensions = array<i32: 1>} : vector<1x4xi32>
    %eq3A_21 = vector.broadcast %arg0 : i32 to vector<1x4xi32>
    %eq3A_22 = arith.cmpi eq, %iota3A, %eq3A_21 : vector<1x4xi32>
    %jit3A = arith.constant 0.000000e+00 : f32
    %broadcast_in_dim3A = vector.shape_cast %eq3A_22 : vector<1x4xi1> to vector<1x4xi1>
    %broadcast_in_dim3A_23 = vector.broadcast %broadcast_in_dim3A : vector<1x4xi1> to vector<2048x4xi1>
    %broadcast_in_dim3A_24 = vector.broadcast %jit3A : f32 to vector<2048x4xf32>
    %select_n3A = arith.select %broadcast_in_dim3A_23, %dot_general3A_20, %broadcast_in_dim3A_24 : vector<2048x4xi1>, vector<2048x4xf32>
    %reduce_sum3A = arith.constant dense<0.000000e+00> : vector<2048xf32>
    %reduce_sum3A_25 = vector.multi_reduction <add>, %select_n3A, %reduce_sum3A [1] : vector<2048x4xf32> to vector<2048xf32>
    %mul3A = arith.mulf %add3A_15, %add3A_15 : vector<2048x256xf32>
    %reduce_sum3A_26 = arith.constant dense<0.000000e+00> : vector<2048xf32>
    %reduce_sum3A_27 = vector.multi_reduction <add>, %mul3A, %reduce_sum3A_26 [1] : vector<2048x256xf32> to vector<2048xf32>
    %sqrt3A = math.sqrt %reduce_sum3A_27 : vector<2048xf32>
    %add3A_28 = arith.constant 9.99999996E-13 : f32
    %add3A_29 = vector.broadcast %add3A_28 : f32 to vector<2048xf32>
    %add3A_30 = arith.addf %sqrt3A, %add3A_29 : vector<2048xf32>
    %div3A = arith.divf %reduce_sum3A_25, %add3A_30 : vector<2048xf32>
    %swap3A = arith.constant 0 : index
    %swap3A_31 = arith.constant 0 : index
    %swap3A_32 = arith.constant 0 : index
    %swap3A_33 = vector.load %arg8[%swap3A, %swap3A_31, %swap3A_32] : memref<1x1x2048xf32, #tpu.memory_space<vmem>>, vector<1x1x2048xf32>
    %swap3A_34 = vector.shape_cast %swap3A_33 : vector<1x1x2048xf32> to vector<2048xf32>
    %swap3A_35 = vector.shape_cast %div3A : vector<2048xf32> to vector<1x1x2048xf32>
    tpu.vector_store %arg8[%swap3A, %swap3A_31, %swap3A_32], %swap3A_35 {strides = array<i32>} : memref<1x1x2048xf32, #tpu.memory_space<vmem>>, vector<1x1x2048xf32>,
    return
  }
  func.func @transform_0(%arg0: i32, %arg1: i32) -> (i32, i32, i32) {
    %c0_i32 = arith.constant 0 : i32
    %c0_i32_0 = arith.constant 0 : i32
    return %arg0, %arg1, %c0_i32 : i32, i32, i32
  }
  func.func @transform_1(%arg0: i32, %arg1: i32) -> (i32, i32) {
    %c0_i32 = arith.constant 0 : i32
    %c0_i32_0 = arith.constant 0 : i32
    %c0_i32_1 = arith.constant 0 : i32
    return %c0_i32, %c0_i32_0 : i32, i32
  }
  func.func @transform_2(%arg0: i32, %arg1: i32) -> (i32, i32) {
    %c0_i32 = arith.constant 0 : i32
    %c0_i32_0 = arith.constant 0 : i32
    %c0_i32_1 = arith.constant 0 : i32
    return %c0_i32, %c0_i32_0 : i32, i32
  }
  func.func @transform_3(%arg0: i32, %arg1: i32) -> (i32, i32) {
    %c0_i32 = arith.constant 0 : i32
    %c0_i32_0 = arith.constant 0 : i32
    %c0_i32_1 = arith.constant 0 : i32
    return %c0_i32, %c0_i32_0 : i32, i32
  }
  func.func @transform_4(%arg0: i32, %arg1: i32) -> (i32, i32) {
    %c0_i32 = arith.constant 0 : i32
    %c0_i32_0 = arith.constant 0 : i32
    %c0_i32_1 = arith.constant 0 : i32
    return %c0_i32, %c0_i32_0 : i32, i32
  }
  func.func @transform_5(%arg0: i32, %arg1: i32) -> (i32, i32) {
    %c0_i32 = arith.constant 0 : i32
    %c0_i32_0 = arith.constant 0 : i32
    %c0_i32_1 = arith.constant 0 : i32
    return %c0_i32, %c0_i32_0 : i32, i32
  }
  func.func @transform_6(%arg0: i32, %arg1: i32) -> (i32, i32, i32) {
    %c0_i32 = arith.constant 0 : i32
    %c0_i32_0 = arith.constant 0 : i32
    return %arg0, %c0_i32, %arg1 : i32, i32, i32
  }
}

module attributes {stable_mosaic.version = 14 : i64} {
  func.func @_gin_kernel(%arg0: memref<2048x1024xf32, #tpu.memory_space<vmem>>, %arg1: memref<4x2x512xf32, #tpu.memory_space<vmem>>, %arg2: memref<4x512x2xf32, #tpu.memory_space<vmem>>, %arg3: memref<1024x256xf32, #tpu.memory_space<vmem>>, %arg4: memref<1x256xf32, #tpu.memory_space<vmem>>, %arg5: memref<256x256xf32, #tpu.memory_space<vmem>>, %arg6: memref<1x256xf32, #tpu.memory_space<vmem>>, %arg7: memref<256x256xf32, #tpu.memory_space<vmem>>, %arg8: memref<1x256xf32, #tpu.memory_space<vmem>>, %arg9: memref<256x256xf32, #tpu.memory_space<vmem>>, %arg10: memref<1x256xf32, #tpu.memory_space<vmem>>, %arg11: memref<256x256xf32, #tpu.memory_space<vmem>>, %arg12: memref<1x256xf32, #tpu.memory_space<vmem>>, %arg13: memref<256x256xf32, #tpu.memory_space<vmem>>, %arg14: memref<1x256xf32, #tpu.memory_space<vmem>>, %arg15: memref<256x256xf32, #tpu.memory_space<vmem>>, %arg16: memref<1x256xf32, #tpu.memory_space<vmem>>, %arg17: memref<256x256xf32, #tpu.memory_space<vmem>>, %arg18: memref<1x256xf32, #tpu.memory_space<vmem>>, %arg19: memref<1x256xf32, #tpu.memory_space<vmem>>, %arg20: memref<256x256xf32, #tpu.memory_space<vmem>>, %arg21: memref<1x256xf32, #tpu.memory_space<vmem>>, %arg22: memref<256x4xf32, #tpu.memory_space<vmem>>, %arg23: memref<1x4xf32, #tpu.memory_space<vmem>>, %arg24: memref<1x4xf32, #tpu.memory_space<vmem>>) attributes {dimension_semantics = [], scalar_prefetch = 0 : i64, scratch_operands = 0 : i64, tpu.core_type = #tpu.core_type<tc>} {
    %get3A = arith.constant 0 : index
    %get3A_0 = arith.constant 0 : index
    %get3A_1 = arith.constant 0 : index
    %get3A_2 = vector.load %arg1[%get3A, %get3A_0, %get3A_1] : memref<4x2x512xf32, #tpu.memory_space<vmem>>, vector<1x1x512xf32>
    %get3A_3 = vector.shape_cast %get3A_2 : vector<1x1x512xf32> to vector<1x512xf32>
    %get3A_4 = arith.constant 0 : index
    %get3A_5 = arith.constant 1 : index
    %get3A_6 = arith.constant 0 : index
    %get3A_7 = vector.load %arg1[%get3A_4, %get3A_5, %get3A_6] : memref<4x2x512xf32, #tpu.memory_space<vmem>>, vector<1x1x512xf32>
    %get3A_8 = vector.shape_cast %get3A_7 : vector<1x1x512xf32> to vector<1x512xf32>
    %get3A_9 = arith.constant 0 : index
    %get3A_10 = arith.constant 0 : index
    %get3A_11 = arith.constant 0 : index
    %get3A_12 = vector.load %arg2[%get3A_9, %get3A_10, %get3A_11] : memref<4x512x2xf32, #tpu.memory_space<vmem>>, vector<1x512x1xf32>
    %get3A_13 = vector.shape_cast %get3A_12 : vector<1x512x1xf32> to vector<512x1xf32>
    %get3A_14 = arith.constant 0 : index
    %get3A_15 = arith.constant 0 : index
    %get3A_16 = arith.constant 1 : index
    %get3A_17 = vector.load %arg2[%get3A_14, %get3A_15, %get3A_16] : memref<4x512x2xf32, #tpu.memory_space<vmem>>, vector<1x512x1xf32>
    %get3A_18 = vector.shape_cast %get3A_17 : vector<1x512x1xf32> to vector<512x1xf32>
    %sub3A = vector.broadcast %get3A_13 : vector<512x1xf32> to vector<512x512xf32>
    %sub3A_19 = vector.broadcast %get3A_3 : vector<1x512xf32> to vector<512x512xf32>
    %sub3A_20 = arith.subf %sub3A, %sub3A_19 : vector<512x512xf32>
    %sub3A_21 = vector.broadcast %get3A_18 : vector<512x1xf32> to vector<512x512xf32>
    %sub3A_22 = vector.broadcast %get3A_8 : vector<1x512xf32> to vector<512x512xf32>
    %sub3A_23 = arith.subf %sub3A_21, %sub3A_22 : vector<512x512xf32>
    %mul3A = arith.mulf %sub3A_20, %sub3A_20 : vector<512x512xf32>
    %mul3A_24 = arith.mulf %sub3A_23, %sub3A_23 : vector<512x512xf32>
    %add3A = arith.addf %mul3A, %mul3A_24 : vector<512x512xf32>
    %get3A_25 = arith.constant 1 : index
    %get3A_26 = arith.constant 0 : index
    %get3A_27 = arith.constant 0 : index
    %get3A_28 = vector.load %arg1[%get3A_25, %get3A_26, %get3A_27] : memref<4x2x512xf32, #tpu.memory_space<vmem>>, vector<1x1x512xf32>
    %get3A_29 = vector.shape_cast %get3A_28 : vector<1x1x512xf32> to vector<1x512xf32>
    %get3A_30 = arith.constant 1 : index
    %get3A_31 = arith.constant 1 : index
    %get3A_32 = arith.constant 0 : index
    %get3A_33 = vector.load %arg1[%get3A_30, %get3A_31, %get3A_32] : memref<4x2x512xf32, #tpu.memory_space<vmem>>, vector<1x1x512xf32>
    %get3A_34 = vector.shape_cast %get3A_33 : vector<1x1x512xf32> to vector<1x512xf32>
    %get3A_35 = arith.constant 1 : index
    %get3A_36 = arith.constant 0 : index
    %get3A_37 = arith.constant 0 : index
    %get3A_38 = vector.load %arg2[%get3A_35, %get3A_36, %get3A_37] : memref<4x512x2xf32, #tpu.memory_space<vmem>>, vector<1x512x1xf32>
    %get3A_39 = vector.shape_cast %get3A_38 : vector<1x512x1xf32> to vector<512x1xf32>
    %get3A_40 = arith.constant 1 : index
    %get3A_41 = arith.constant 0 : index
    %get3A_42 = arith.constant 1 : index
    %get3A_43 = vector.load %arg2[%get3A_40, %get3A_41, %get3A_42] : memref<4x512x2xf32, #tpu.memory_space<vmem>>, vector<1x512x1xf32>
    %get3A_44 = vector.shape_cast %get3A_43 : vector<1x512x1xf32> to vector<512x1xf32>
    %sub3A_45 = vector.broadcast %get3A_39 : vector<512x1xf32> to vector<512x512xf32>
    %sub3A_46 = vector.broadcast %get3A_29 : vector<1x512xf32> to vector<512x512xf32>
    %sub3A_47 = arith.subf %sub3A_45, %sub3A_46 : vector<512x512xf32>
    %sub3A_48 = vector.broadcast %get3A_44 : vector<512x1xf32> to vector<512x512xf32>
    %sub3A_49 = vector.broadcast %get3A_34 : vector<1x512xf32> to vector<512x512xf32>
    %sub3A_50 = arith.subf %sub3A_48, %sub3A_49 : vector<512x512xf32>
    %mul3A_51 = arith.mulf %sub3A_47, %sub3A_47 : vector<512x512xf32>
    %mul3A_52 = arith.mulf %sub3A_50, %sub3A_50 : vector<512x512xf32>
    %add3A_53 = arith.addf %mul3A_51, %mul3A_52 : vector<512x512xf32>
    %get3A_54 = arith.constant 2 : index
    %get3A_55 = arith.constant 0 : index
    %get3A_56 = arith.constant 0 : index
    %get3A_57 = vector.load %arg1[%get3A_54, %get3A_55, %get3A_56] : memref<4x2x512xf32, #tpu.memory_space<vmem>>, vector<1x1x512xf32>
    %get3A_58 = vector.shape_cast %get3A_57 : vector<1x1x512xf32> to vector<1x512xf32>
    %get3A_59 = arith.constant 2 : index
    %get3A_60 = arith.constant 1 : index
    %get3A_61 = arith.constant 0 : index
    %get3A_62 = vector.load %arg1[%get3A_59, %get3A_60, %get3A_61] : memref<4x2x512xf32, #tpu.memory_space<vmem>>, vector<1x1x512xf32>
    %get3A_63 = vector.shape_cast %get3A_62 : vector<1x1x512xf32> to vector<1x512xf32>
    %get3A_64 = arith.constant 2 : index
    %get3A_65 = arith.constant 0 : index
    %get3A_66 = arith.constant 0 : index
    %get3A_67 = vector.load %arg2[%get3A_64, %get3A_65, %get3A_66] : memref<4x512x2xf32, #tpu.memory_space<vmem>>, vector<1x512x1xf32>
    %get3A_68 = vector.shape_cast %get3A_67 : vector<1x512x1xf32> to vector<512x1xf32>
    %get3A_69 = arith.constant 2 : index
    %get3A_70 = arith.constant 0 : index
    %get3A_71 = arith.constant 1 : index
    %get3A_72 = vector.load %arg2[%get3A_69, %get3A_70, %get3A_71] : memref<4x512x2xf32, #tpu.memory_space<vmem>>, vector<1x512x1xf32>
    %get3A_73 = vector.shape_cast %get3A_72 : vector<1x512x1xf32> to vector<512x1xf32>
    %sub3A_74 = vector.broadcast %get3A_68 : vector<512x1xf32> to vector<512x512xf32>
    %sub3A_75 = vector.broadcast %get3A_58 : vector<1x512xf32> to vector<512x512xf32>
    %sub3A_76 = arith.subf %sub3A_74, %sub3A_75 : vector<512x512xf32>
    %sub3A_77 = vector.broadcast %get3A_73 : vector<512x1xf32> to vector<512x512xf32>
    %sub3A_78 = vector.broadcast %get3A_63 : vector<1x512xf32> to vector<512x512xf32>
    %sub3A_79 = arith.subf %sub3A_77, %sub3A_78 : vector<512x512xf32>
    %mul3A_80 = arith.mulf %sub3A_76, %sub3A_76 : vector<512x512xf32>
    %mul3A_81 = arith.mulf %sub3A_79, %sub3A_79 : vector<512x512xf32>
    %add3A_82 = arith.addf %mul3A_80, %mul3A_81 : vector<512x512xf32>
    %get3A_83 = arith.constant 3 : index
    %get3A_84 = arith.constant 0 : index
    %get3A_85 = arith.constant 0 : index
    %get3A_86 = vector.load %arg1[%get3A_83, %get3A_84, %get3A_85] : memref<4x2x512xf32, #tpu.memory_space<vmem>>, vector<1x1x512xf32>
    %get3A_87 = vector.shape_cast %get3A_86 : vector<1x1x512xf32> to vector<1x512xf32>
    %get3A_88 = arith.constant 3 : index
    %get3A_89 = arith.constant 1 : index
    %get3A_90 = arith.constant 0 : index
    %get3A_91 = vector.load %arg1[%get3A_88, %get3A_89, %get3A_90] : memref<4x2x512xf32, #tpu.memory_space<vmem>>, vector<1x1x512xf32>
    %get3A_92 = vector.shape_cast %get3A_91 : vector<1x1x512xf32> to vector<1x512xf32>
    %get3A_93 = arith.constant 3 : index
    %get3A_94 = arith.constant 0 : index
    %get3A_95 = arith.constant 0 : index
    %get3A_96 = vector.load %arg2[%get3A_93, %get3A_94, %get3A_95] : memref<4x512x2xf32, #tpu.memory_space<vmem>>, vector<1x512x1xf32>
    %get3A_97 = vector.shape_cast %get3A_96 : vector<1x512x1xf32> to vector<512x1xf32>
    %get3A_98 = arith.constant 3 : index
    %get3A_99 = arith.constant 0 : index
    %get3A_100 = arith.constant 1 : index
    %get3A_101 = vector.load %arg2[%get3A_98, %get3A_99, %get3A_100] : memref<4x512x2xf32, #tpu.memory_space<vmem>>, vector<1x512x1xf32>
    %get3A_102 = vector.shape_cast %get3A_101 : vector<1x512x1xf32> to vector<512x1xf32>
    %sub3A_103 = vector.broadcast %get3A_97 : vector<512x1xf32> to vector<512x512xf32>
    %sub3A_104 = vector.broadcast %get3A_87 : vector<1x512xf32> to vector<512x512xf32>
    %sub3A_105 = arith.subf %sub3A_103, %sub3A_104 : vector<512x512xf32>
    %sub3A_106 = vector.broadcast %get3A_102 : vector<512x1xf32> to vector<512x512xf32>
    %sub3A_107 = vector.broadcast %get3A_92 : vector<1x512xf32> to vector<512x512xf32>
    %sub3A_108 = arith.subf %sub3A_106, %sub3A_107 : vector<512x512xf32>
    %mul3A_109 = arith.mulf %sub3A_105, %sub3A_105 : vector<512x512xf32>
    %mul3A_110 = arith.mulf %sub3A_108, %sub3A_108 : vector<512x512xf32>
    %add3A_111 = arith.addf %mul3A_109, %mul3A_110 : vector<512x512xf32>
    %concatenate3A = tpu.concatenate %add3A, %add3A_53, %add3A_82, %add3A_111 in 0 : vector<512x512xf32>, vector<512x512xf32>, vector<512x512xf32>, vector<512x512xf32> -> vector<2048x512xf32>
    %iota3A = tpu.iota {dimensions = array<i32: 0>} : vector<2048x512xi32>
    %jit3A = arith.constant 512 : i32
    %eq3A = arith.constant 0 : i32
    %eq3A_112 = arith.cmpi eq, %jit3A, %eq3A : i32
    %jit3A_113 = arith.constant 1 : i32
    %select_n3A = arith.select %eq3A_112, %jit3A_113, %jit3A : i32
    %rem3A = vector.broadcast %select_n3A : i32 to vector<2048x512xi32>
    %rem3A_114 = arith.remsi %iota3A, %rem3A : vector<2048x512xi32>
    %ne3A = arith.constant 0 : i32
    %ne3A_115 = vector.broadcast %ne3A : i32 to vector<2048x512xi32>
    %ne3A_116 = arith.cmpi ne, %rem3A_114, %ne3A_115 : vector<2048x512xi32>
    %lt3A = arith.constant 0 : i32
    %lt3A_117 = vector.broadcast %lt3A : i32 to vector<2048x512xi32>
    %lt3A_118 = arith.cmpi slt, %rem3A_114, %lt3A_117 : vector<2048x512xi32>
    %lt3A_119 = arith.constant 0 : i32
    %lt3A_120 = arith.cmpi slt, %select_n3A, %lt3A_119 : i32
    %ne3A_121 = vector.broadcast %lt3A_120 : i1 to vector<2048x512xi1>
    %ne3A_122 = vector.broadcast %ne3A_121 : vector<2048x512xi1> to vector<2048x512xi1>
    %ne3A_123 = arith.xori %lt3A_118, %ne3A_122 : vector<2048x512xi1>
    %and3A = arith.andi %ne3A_123, %ne3A_116 : vector<2048x512xi1>
    %add3A_124 = vector.broadcast %select_n3A : i32 to vector<2048x512xi32>
    %add3A_125 = arith.addi %rem3A_114, %add3A_124 : vector<2048x512xi32>
    %select_n3A_126 = arith.select %and3A, %add3A_125, %rem3A_114 : vector<2048x512xi1>, vector<2048x512xi32>
    %iota3A_127 = tpu.iota {dimensions = array<i32: 1>} : vector<2048x512xi32>
    %eq3A_128 = arith.cmpi eq, %select_n3A_126, %iota3A_127 : vector<2048x512xi32>
    %jit3A_129 = arith.constant 9.99999995E+11 : f32
    %broadcast_in_dim3A = vector.broadcast %jit3A_129 : f32 to vector<2048x512xf32>
    %select_n3A_130 = arith.select %eq3A_128, %broadcast_in_dim3A, %concatenate3A : vector<2048x512xi1>, vector<2048x512xf32>
    %broadcast_in_dim3A_131 = arith.constant 0.000000e+00 : f32
    %broadcast_in_dim3A_132 = vector.broadcast %broadcast_in_dim3A_131 : f32 to vector<2048x512xf32>
    %reduce_min3A = arith.constant dense<0x7F800000> : vector<2048xf32>
    %reduce_min3A_133 = vector.multi_reduction <minimumf>, %select_n3A_130, %reduce_min3A [1] : vector<2048x512xf32> to vector<2048xf32>
    %broadcast_in_dim3A_134 = vector.shape_cast %reduce_min3A_133 : vector<2048xf32> to vector<2048x1xf32>
    %eq3A_135 = vector.broadcast %broadcast_in_dim3A_134 : vector<2048x1xf32> to vector<2048x512xf32>
    %eq3A_136 = arith.cmpf oeq, %select_n3A_130, %eq3A_135 : vector<2048x512xf32>
    %jit3A_137 = arith.constant 1073741824 : i32
    %broadcast_in_dim3A_138 = vector.broadcast %jit3A_137 : i32 to vector<2048x512xi32>
    %select_n3A_139 = arith.select %eq3A_136, %iota3A_127, %broadcast_in_dim3A_138 : vector<2048x512xi1>, vector<2048x512xi32>
    %reduce_min3A_140 = arith.constant dense<2147483647> : vector<2048xi32>
    %reduce_min3A_141 = vector.multi_reduction <minsi>, %select_n3A_139, %reduce_min3A_140 [1] : vector<2048x512xi32> to vector<2048xi32>
    %broadcast_in_dim3A_142 = vector.shape_cast %reduce_min3A_141 : vector<2048xi32> to vector<2048x1xi32>
    %eq3A_143 = vector.broadcast %broadcast_in_dim3A_142 : vector<2048x1xi32> to vector<2048x512xi32>
    %eq3A_144 = arith.cmpi eq, %iota3A_127, %eq3A_143 : vector<2048x512xi32>
    %jit3A_145 = arith.constant 1.000000e+00 : f32
    %broadcast_in_dim3A_146 = vector.broadcast %jit3A_145 : f32 to vector<2048x512xf32>
    %select_n3A_147 = arith.select %eq3A_144, %broadcast_in_dim3A_146, %broadcast_in_dim3A_132 : vector<2048x512xi1>, vector<2048x512xf32>
    %jit3A_148 = arith.constant 1.000000e+30 : f32
    %broadcast_in_dim3A_149 = vector.broadcast %jit3A_148 : f32 to vector<2048x512xf32>
    %select_n3A_150 = arith.select %eq3A_144, %broadcast_in_dim3A_149, %select_n3A_130 : vector<2048x512xi1>, vector<2048x512xf32>
    %reduce_min3A_151 = arith.constant dense<0x7F800000> : vector<2048xf32>
    %reduce_min3A_152 = vector.multi_reduction <minimumf>, %select_n3A_150, %reduce_min3A_151 [1] : vector<2048x512xf32> to vector<2048xf32>
    %broadcast_in_dim3A_153 = vector.shape_cast %reduce_min3A_152 : vector<2048xf32> to vector<2048x1xf32>
    %eq3A_154 = vector.broadcast %broadcast_in_dim3A_153 : vector<2048x1xf32> to vector<2048x512xf32>
    %eq3A_155 = arith.cmpf oeq, %select_n3A_150, %eq3A_154 : vector<2048x512xf32>
    %jit3A_156 = arith.constant 1073741824 : i32
    %broadcast_in_dim3A_157 = vector.broadcast %jit3A_156 : i32 to vector<2048x512xi32>
    %select_n3A_158 = arith.select %eq3A_155, %iota3A_127, %broadcast_in_dim3A_157 : vector<2048x512xi1>, vector<2048x512xi32>
    %reduce_min3A_159 = arith.constant dense<2147483647> : vector<2048xi32>
    %reduce_min3A_160 = vector.multi_reduction <minsi>, %select_n3A_158, %reduce_min3A_159 [1] : vector<2048x512xi32> to vector<2048xi32>
    %broadcast_in_dim3A_161 = vector.shape_cast %reduce_min3A_160 : vector<2048xi32> to vector<2048x1xi32>
    %eq3A_162 = vector.broadcast %broadcast_in_dim3A_161 : vector<2048x1xi32> to vector<2048x512xi32>
    %eq3A_163 = arith.cmpi eq, %iota3A_127, %eq3A_162 : vector<2048x512xi32>
    %jit3A_164 = arith.constant 1.000000e+00 : f32
    %broadcast_in_dim3A_165 = vector.broadcast %jit3A_164 : f32 to vector<2048x512xf32>
    %select_n3A_166 = arith.select %eq3A_163, %broadcast_in_dim3A_165, %select_n3A_147 : vector<2048x512xi1>, vector<2048x512xf32>
    %jit3A_167 = arith.constant 1.000000e+30 : f32
    %broadcast_in_dim3A_168 = vector.broadcast %jit3A_167 : f32 to vector<2048x512xf32>
    %select_n3A_169 = arith.select %eq3A_163, %broadcast_in_dim3A_168, %select_n3A_150 : vector<2048x512xi1>, vector<2048x512xf32>
    %reduce_min3A_170 = arith.constant dense<0x7F800000> : vector<2048xf32>
    %reduce_min3A_171 = vector.multi_reduction <minimumf>, %select_n3A_169, %reduce_min3A_170 [1] : vector<2048x512xf32> to vector<2048xf32>
    %broadcast_in_dim3A_172 = vector.shape_cast %reduce_min3A_171 : vector<2048xf32> to vector<2048x1xf32>
    %eq3A_173 = vector.broadcast %broadcast_in_dim3A_172 : vector<2048x1xf32> to vector<2048x512xf32>
    %eq3A_174 = arith.cmpf oeq, %select_n3A_169, %eq3A_173 : vector<2048x512xf32>
    %jit3A_175 = arith.constant 1073741824 : i32
    %broadcast_in_dim3A_176 = vector.broadcast %jit3A_175 : i32 to vector<2048x512xi32>
    %select_n3A_177 = arith.select %eq3A_174, %iota3A_127, %broadcast_in_dim3A_176 : vector<2048x512xi1>, vector<2048x512xi32>
    %reduce_min3A_178 = arith.constant dense<2147483647> : vector<2048xi32>
    %reduce_min3A_179 = vector.multi_reduction <minsi>, %select_n3A_177, %reduce_min3A_178 [1] : vector<2048x512xi32> to vector<2048xi32>
    %broadcast_in_dim3A_180 = vector.shape_cast %reduce_min3A_179 : vector<2048xi32> to vector<2048x1xi32>
    %eq3A_181 = vector.broadcast %broadcast_in_dim3A_180 : vector<2048x1xi32> to vector<2048x512xi32>
    %eq3A_182 = arith.cmpi eq, %iota3A_127, %eq3A_181 : vector<2048x512xi32>
    %jit3A_183 = arith.constant 1.000000e+00 : f32
    %broadcast_in_dim3A_184 = vector.broadcast %jit3A_183 : f32 to vector<2048x512xf32>
    %select_n3A_185 = arith.select %eq3A_182, %broadcast_in_dim3A_184, %select_n3A_166 : vector<2048x512xi1>, vector<2048x512xf32>
    %jit3A_186 = arith.constant 1.000000e+30 : f32
    %broadcast_in_dim3A_187 = vector.broadcast %jit3A_186 : f32 to vector<2048x512xf32>
    %select_n3A_188 = arith.select %eq3A_182, %broadcast_in_dim3A_187, %select_n3A_169 : vector<2048x512xi1>, vector<2048x512xf32>
    %reduce_min3A_189 = arith.constant dense<0x7F800000> : vector<2048xf32>
    %reduce_min3A_190 = vector.multi_reduction <minimumf>, %select_n3A_188, %reduce_min3A_189 [1] : vector<2048x512xf32> to vector<2048xf32>
    %broadcast_in_dim3A_191 = vector.shape_cast %reduce_min3A_190 : vector<2048xf32> to vector<2048x1xf32>
    %eq3A_192 = vector.broadcast %broadcast_in_dim3A_191 : vector<2048x1xf32> to vector<2048x512xf32>
    %eq3A_193 = arith.cmpf oeq, %select_n3A_188, %eq3A_192 : vector<2048x512xf32>
    %jit3A_194 = arith.constant 1073741824 : i32
    %broadcast_in_dim3A_195 = vector.broadcast %jit3A_194 : i32 to vector<2048x512xi32>
    %select_n3A_196 = arith.select %eq3A_193, %iota3A_127, %broadcast_in_dim3A_195 : vector<2048x512xi1>, vector<2048x512xi32>
    %reduce_min3A_197 = arith.constant dense<2147483647> : vector<2048xi32>
    %reduce_min3A_198 = vector.multi_reduction <minsi>, %select_n3A_196, %reduce_min3A_197 [1] : vector<2048x512xi32> to vector<2048xi32>
    %broadcast_in_dim3A_199 = vector.shape_cast %reduce_min3A_198 : vector<2048xi32> to vector<2048x1xi32>
    %eq3A_200 = vector.broadcast %broadcast_in_dim3A_199 : vector<2048x1xi32> to vector<2048x512xi32>
    %eq3A_201 = arith.cmpi eq, %iota3A_127, %eq3A_200 : vector<2048x512xi32>
    %jit3A_202 = arith.constant 1.000000e+00 : f32
    %broadcast_in_dim3A_203 = vector.broadcast %jit3A_202 : f32 to vector<2048x512xf32>
    %select_n3A_204 = arith.select %eq3A_201, %broadcast_in_dim3A_203, %select_n3A_185 : vector<2048x512xi1>, vector<2048x512xf32>
    %jit3A_205 = arith.constant 1.000000e+30 : f32
    %broadcast_in_dim3A_206 = vector.broadcast %jit3A_205 : f32 to vector<2048x512xf32>
    %select_n3A_207 = arith.select %eq3A_201, %broadcast_in_dim3A_206, %select_n3A_188 : vector<2048x512xi1>, vector<2048x512xf32>
    %reduce_min3A_208 = arith.constant dense<0x7F800000> : vector<2048xf32>
    %reduce_min3A_209 = vector.multi_reduction <minimumf>, %select_n3A_207, %reduce_min3A_208 [1] : vector<2048x512xf32> to vector<2048xf32>
    %broadcast_in_dim3A_210 = vector.shape_cast %reduce_min3A_209 : vector<2048xf32> to vector<2048x1xf32>
    %eq3A_211 = vector.broadcast %broadcast_in_dim3A_210 : vector<2048x1xf32> to vector<2048x512xf32>
    %eq3A_212 = arith.cmpf oeq, %select_n3A_207, %eq3A_211 : vector<2048x512xf32>
    %jit3A_213 = arith.constant 1073741824 : i32
    %broadcast_in_dim3A_214 = vector.broadcast %jit3A_213 : i32 to vector<2048x512xi32>
    %select_n3A_215 = arith.select %eq3A_212, %iota3A_127, %broadcast_in_dim3A_214 : vector<2048x512xi1>, vector<2048x512xi32>
    %reduce_min3A_216 = arith.constant dense<2147483647> : vector<2048xi32>
    %reduce_min3A_217 = vector.multi_reduction <minsi>, %select_n3A_215, %reduce_min3A_216 [1] : vector<2048x512xi32> to vector<2048xi32>
    %broadcast_in_dim3A_218 = vector.shape_cast %reduce_min3A_217 : vector<2048xi32> to vector<2048x1xi32>
    %eq3A_219 = vector.broadcast %broadcast_in_dim3A_218 : vector<2048x1xi32> to vector<2048x512xi32>
    %eq3A_220 = arith.cmpi eq, %iota3A_127, %eq3A_219 : vector<2048x512xi32>
    %jit3A_221 = arith.constant 1.000000e+00 : f32
    %broadcast_in_dim3A_222 = vector.broadcast %jit3A_221 : f32 to vector<2048x512xf32>
    %select_n3A_223 = arith.select %eq3A_220, %broadcast_in_dim3A_222, %select_n3A_204 : vector<2048x512xi1>, vector<2048x512xf32>
    %jit3A_224 = arith.constant 1.000000e+30 : f32
    %broadcast_in_dim3A_225 = vector.broadcast %jit3A_224 : f32 to vector<2048x512xf32>
    %select_n3A_226 = arith.select %eq3A_220, %broadcast_in_dim3A_225, %select_n3A_207 : vector<2048x512xi1>, vector<2048x512xf32>
    %reduce_min3A_227 = arith.constant dense<0x7F800000> : vector<2048xf32>
    %reduce_min3A_228 = vector.multi_reduction <minimumf>, %select_n3A_226, %reduce_min3A_227 [1] : vector<2048x512xf32> to vector<2048xf32>
    %broadcast_in_dim3A_229 = vector.shape_cast %reduce_min3A_228 : vector<2048xf32> to vector<2048x1xf32>
    %eq3A_230 = vector.broadcast %broadcast_in_dim3A_229 : vector<2048x1xf32> to vector<2048x512xf32>
    %eq3A_231 = arith.cmpf oeq, %select_n3A_226, %eq3A_230 : vector<2048x512xf32>
    %jit3A_232 = arith.constant 1073741824 : i32
    %broadcast_in_dim3A_233 = vector.broadcast %jit3A_232 : i32 to vector<2048x512xi32>
    %select_n3A_234 = arith.select %eq3A_231, %iota3A_127, %broadcast_in_dim3A_233 : vector<2048x512xi1>, vector<2048x512xi32>
    %reduce_min3A_235 = arith.constant dense<2147483647> : vector<2048xi32>
    %reduce_min3A_236 = vector.multi_reduction <minsi>, %select_n3A_234, %reduce_min3A_235 [1] : vector<2048x512xi32> to vector<2048xi32>
    %broadcast_in_dim3A_237 = vector.shape_cast %reduce_min3A_236 : vector<2048xi32> to vector<2048x1xi32>
    %eq3A_238 = vector.broadcast %broadcast_in_dim3A_237 : vector<2048x1xi32> to vector<2048x512xi32>
    %eq3A_239 = arith.cmpi eq, %iota3A_127, %eq3A_238 : vector<2048x512xi32>
    %jit3A_240 = arith.constant 1.000000e+00 : f32
    %broadcast_in_dim3A_241 = vector.broadcast %jit3A_240 : f32 to vector<2048x512xf32>
    %select_n3A_242 = arith.select %eq3A_239, %broadcast_in_dim3A_241, %select_n3A_223 : vector<2048x512xi1>, vector<2048x512xf32>
    %jit3A_243 = arith.constant 1.000000e+30 : f32
    %broadcast_in_dim3A_244 = vector.broadcast %jit3A_243 : f32 to vector<2048x512xf32>
    %select_n3A_245 = arith.select %eq3A_239, %broadcast_in_dim3A_244, %select_n3A_226 : vector<2048x512xi1>, vector<2048x512xf32>
    %reduce_min3A_246 = arith.constant dense<0x7F800000> : vector<2048xf32>
    %reduce_min3A_247 = vector.multi_reduction <minimumf>, %select_n3A_245, %reduce_min3A_246 [1] : vector<2048x512xf32> to vector<2048xf32>
    %broadcast_in_dim3A_248 = vector.shape_cast %reduce_min3A_247 : vector<2048xf32> to vector<2048x1xf32>
    %eq3A_249 = vector.broadcast %broadcast_in_dim3A_248 : vector<2048x1xf32> to vector<2048x512xf32>
    %eq3A_250 = arith.cmpf oeq, %select_n3A_245, %eq3A_249 : vector<2048x512xf32>
    %jit3A_251 = arith.constant 1073741824 : i32
    %broadcast_in_dim3A_252 = vector.broadcast %jit3A_251 : i32 to vector<2048x512xi32>
    %select_n3A_253 = arith.select %eq3A_250, %iota3A_127, %broadcast_in_dim3A_252 : vector<2048x512xi1>, vector<2048x512xi32>
    %reduce_min3A_254 = arith.constant dense<2147483647> : vector<2048xi32>
    %reduce_min3A_255 = vector.multi_reduction <minsi>, %select_n3A_253, %reduce_min3A_254 [1] : vector<2048x512xi32> to vector<2048xi32>
    %broadcast_in_dim3A_256 = vector.shape_cast %reduce_min3A_255 : vector<2048xi32> to vector<2048x1xi32>
    %eq3A_257 = vector.broadcast %broadcast_in_dim3A_256 : vector<2048x1xi32> to vector<2048x512xi32>
    %eq3A_258 = arith.cmpi eq, %iota3A_127, %eq3A_257 : vector<2048x512xi32>
    %jit3A_259 = arith.constant 1.000000e+00 : f32
    %broadcast_in_dim3A_260 = vector.broadcast %jit3A_259 : f32 to vector<2048x512xf32>
    %select_n3A_261 = arith.select %eq3A_258, %broadcast_in_dim3A_260, %select_n3A_242 : vector<2048x512xi1>, vector<2048x512xf32>
    %jit3A_262 = arith.constant 1.000000e+30 : f32
    %broadcast_in_dim3A_263 = vector.broadcast %jit3A_262 : f32 to vector<2048x512xf32>
    %select_n3A_264 = arith.select %eq3A_258, %broadcast_in_dim3A_263, %select_n3A_245 : vector<2048x512xi1>, vector<2048x512xf32>
    %reduce_min3A_265 = arith.constant dense<0x7F800000> : vector<2048xf32>
    %reduce_min3A_266 = vector.multi_reduction <minimumf>, %select_n3A_264, %reduce_min3A_265 [1] : vector<2048x512xf32> to vector<2048xf32>
    %broadcast_in_dim3A_267 = vector.shape_cast %reduce_min3A_266 : vector<2048xf32> to vector<2048x1xf32>
    %eq3A_268 = vector.broadcast %broadcast_in_dim3A_267 : vector<2048x1xf32> to vector<2048x512xf32>
    %eq3A_269 = arith.cmpf oeq, %select_n3A_264, %eq3A_268 : vector<2048x512xf32>
    %jit3A_270 = arith.constant 1073741824 : i32
    %broadcast_in_dim3A_271 = vector.broadcast %jit3A_270 : i32 to vector<2048x512xi32>
    %select_n3A_272 = arith.select %eq3A_269, %iota3A_127, %broadcast_in_dim3A_271 : vector<2048x512xi1>, vector<2048x512xi32>
    %reduce_min3A_273 = arith.constant dense<2147483647> : vector<2048xi32>
    %reduce_min3A_274 = vector.multi_reduction <minsi>, %select_n3A_272, %reduce_min3A_273 [1] : vector<2048x512xi32> to vector<2048xi32>
    %broadcast_in_dim3A_275 = vector.shape_cast %reduce_min3A_274 : vector<2048xi32> to vector<2048x1xi32>
    %eq3A_276 = vector.broadcast %broadcast_in_dim3A_275 : vector<2048x1xi32> to vector<2048x512xi32>
    %eq3A_277 = arith.cmpi eq, %iota3A_127, %eq3A_276 : vector<2048x512xi32>
    %jit3A_278 = arith.constant 1.000000e+00 : f32
    %broadcast_in_dim3A_279 = vector.broadcast %jit3A_278 : f32 to vector<2048x512xf32>
    %select_n3A_280 = arith.select %eq3A_277, %broadcast_in_dim3A_279, %select_n3A_261 : vector<2048x512xi1>, vector<2048x512xf32>
    %get3A_281 = arith.constant 0 : index
    %get3A_282 = arith.constant 0 : index
    %get3A_283 = vector.load %arg0[%get3A_281, %get3A_282] : memref<2048x1024xf32, #tpu.memory_space<vmem>>, vector<2048x1024xf32>
    %get3A_284 = arith.constant 0 : index
    %get3A_285 = arith.constant 0 : index
    %get3A_286 = vector.load %arg3[%get3A_284, %get3A_285] : memref<1024x256xf32, #tpu.memory_space<vmem>>, vector<1024x256xf32>
    %dot_general3A = arith.constant dense<0.000000e+00> : vector<2048x256xf32>
    %dot_general3A_287 = tpu.matmul %get3A_283, %get3A_286, %dot_general3A {dimension_numbers = #tpu.dot_dimension_numbers<[1], [0], [0], [1], [0, 0, 1, 1], [], []>, transpose_lhs_hint = false} : vector<2048x1024xf32>, vector<1024x256xf32>, vector<2048x256xf32> -> vector<2048x256xf32>
    %slice3A = vector.extract_strided_slice %select_n3A_280 {offsets = [0, 0], sizes = [512, 512], strides = [1, 1]} : vector<2048x512xf32> to vector<512x512xf32>
    %slice3A_288 = vector.extract_strided_slice %dot_general3A_287 {offsets = [0, 0], sizes = [512, 256], strides = [1, 1]} : vector<2048x256xf32> to vector<512x256xf32>
    %dot_general3A_289 = arith.constant dense<0.000000e+00> : vector<512x256xf32>
    %dot_general3A_290 = tpu.matmul %slice3A, %slice3A_288, %dot_general3A_289 {dimension_numbers = #tpu.dot_dimension_numbers<[1], [0], [0], [1], [0, 0, 1, 1], [], []>, transpose_lhs_hint = false} : vector<512x512xf32>, vector<512x256xf32>, vector<512x256xf32> -> vector<512x256xf32>
    %slice3A_291 = vector.extract_strided_slice %select_n3A_280 {offsets = [512, 0], sizes = [512, 512], strides = [1, 1]} : vector<2048x512xf32> to vector<512x512xf32>
    %slice3A_292 = vector.extract_strided_slice %dot_general3A_287 {offsets = [512, 0], sizes = [512, 256], strides = [1, 1]} : vector<2048x256xf32> to vector<512x256xf32>
    %dot_general3A_293 = arith.constant dense<0.000000e+00> : vector<512x256xf32>
    %dot_general3A_294 = tpu.matmul %slice3A_291, %slice3A_292, %dot_general3A_293 {dimension_numbers = #tpu.dot_dimension_numbers<[1], [0], [0], [1], [0, 0, 1, 1], [], []>, transpose_lhs_hint = false} : vector<512x512xf32>, vector<512x256xf32>, vector<512x256xf32> -> vector<512x256xf32>
    %slice3A_295 = vector.extract_strided_slice %select_n3A_280 {offsets = [1024, 0], sizes = [512, 512], strides = [1, 1]} : vector<2048x512xf32> to vector<512x512xf32>
    %slice3A_296 = vector.extract_strided_slice %dot_general3A_287 {offsets = [1024, 0], sizes = [512, 256], strides = [1, 1]} : vector<2048x256xf32> to vector<512x256xf32>
    %dot_general3A_297 = arith.constant dense<0.000000e+00> : vector<512x256xf32>
    %dot_general3A_298 = tpu.matmul %slice3A_295, %slice3A_296, %dot_general3A_297 {dimension_numbers = #tpu.dot_dimension_numbers<[1], [0], [0], [1], [0, 0, 1, 1], [], []>, transpose_lhs_hint = false} : vector<512x512xf32>, vector<512x256xf32>, vector<512x256xf32> -> vector<512x256xf32>
    %slice3A_299 = vector.extract_strided_slice %select_n3A_280 {offsets = [1536, 0], sizes = [512, 512], strides = [1, 1]} : vector<2048x512xf32> to vector<512x512xf32>
    %slice3A_300 = vector.extract_strided_slice %dot_general3A_287 {offsets = [1536, 0], sizes = [512, 256], strides = [1, 1]} : vector<2048x256xf32> to vector<512x256xf32>
    %dot_general3A_301 = arith.constant dense<0.000000e+00> : vector<512x256xf32>
    %dot_general3A_302 = tpu.matmul %slice3A_299, %slice3A_300, %dot_general3A_301 {dimension_numbers = #tpu.dot_dimension_numbers<[1], [0], [0], [1], [0, 0, 1, 1], [], []>, transpose_lhs_hint = false} : vector<512x512xf32>, vector<512x256xf32>, vector<512x256xf32> -> vector<512x256xf32>
    %concatenate3A_303 = tpu.concatenate %dot_general3A_290, %dot_general3A_294, %dot_general3A_298, %dot_general3A_302 in 0 : vector<512x256xf32>, vector<512x256xf32>, vector<512x256xf32>, vector<512x256xf32> -> vector<2048x256xf32>
    %add3A_304 = arith.addf %dot_general3A_287, %concatenate3A_303 : vector<2048x256xf32>
    %get3A_305 = arith.constant 0 : index
    %get3A_306 = arith.constant 0 : index
    %get3A_307 = vector.load %arg4[%get3A_305, %get3A_306] : memref<1x256xf32, #tpu.memory_space<vmem>>, vector<1x256xf32>
    %add3A_308 = vector.broadcast %get3A_307 : vector<1x256xf32> to vector<2048x256xf32>
    %add3A_309 = arith.addf %add3A_304, %add3A_308 : vector<2048x256xf32>
    %max3A = arith.constant 0.000000e+00 : f32
    %max3A_310 = vector.broadcast %max3A : f32 to vector<2048x256xf32>
    %max3A_311 = arith.maximumf %add3A_309, %max3A_310 : vector<2048x256xf32>
    %get3A_312 = arith.constant 0 : index
    %get3A_313 = arith.constant 0 : index
    %get3A_314 = vector.load %arg5[%get3A_312, %get3A_313] : memref<256x256xf32, #tpu.memory_space<vmem>>, vector<256x256xf32>
    %dot_general3A_315 = arith.constant dense<0.000000e+00> : vector<2048x256xf32>
    %dot_general3A_316 = tpu.matmul %max3A_311, %get3A_314, %dot_general3A_315 {dimension_numbers = #tpu.dot_dimension_numbers<[1], [0], [0], [1], [0, 0, 1, 1], [], []>, transpose_lhs_hint = false} : vector<2048x256xf32>, vector<256x256xf32>, vector<2048x256xf32> -> vector<2048x256xf32>
    %get3A_317 = arith.constant 0 : index
    %get3A_318 = arith.constant 0 : index
    %get3A_319 = vector.load %arg6[%get3A_317, %get3A_318] : memref<1x256xf32, #tpu.memory_space<vmem>>, vector<1x256xf32>
    %add3A_320 = vector.broadcast %get3A_319 : vector<1x256xf32> to vector<2048x256xf32>
    %add3A_321 = arith.addf %dot_general3A_316, %add3A_320 : vector<2048x256xf32>
    %max3A_322 = arith.constant 0.000000e+00 : f32
    %max3A_323 = vector.broadcast %max3A_322 : f32 to vector<2048x256xf32>
    %max3A_324 = arith.maximumf %add3A_321, %max3A_323 : vector<2048x256xf32>
    %slice3A_325 = vector.extract_strided_slice %select_n3A_280 {offsets = [0, 0], sizes = [512, 512], strides = [1, 1]} : vector<2048x512xf32> to vector<512x512xf32>
    %slice3A_326 = vector.extract_strided_slice %max3A_324 {offsets = [0, 0], sizes = [512, 256], strides = [1, 1]} : vector<2048x256xf32> to vector<512x256xf32>
    %dot_general3A_327 = arith.constant dense<0.000000e+00> : vector<512x256xf32>
    %dot_general3A_328 = tpu.matmul %slice3A_325, %slice3A_326, %dot_general3A_327 {dimension_numbers = #tpu.dot_dimension_numbers<[1], [0], [0], [1], [0, 0, 1, 1], [], []>, transpose_lhs_hint = false} : vector<512x512xf32>, vector<512x256xf32>, vector<512x256xf32> -> vector<512x256xf32>
    %slice3A_329 = vector.extract_strided_slice %select_n3A_280 {offsets = [512, 0], sizes = [512, 512], strides = [1, 1]} : vector<2048x512xf32> to vector<512x512xf32>
    %slice3A_330 = vector.extract_strided_slice %max3A_324 {offsets = [512, 0], sizes = [512, 256], strides = [1, 1]} : vector<2048x256xf32> to vector<512x256xf32>
    %dot_general3A_331 = arith.constant dense<0.000000e+00> : vector<512x256xf32>
    %dot_general3A_332 = tpu.matmul %slice3A_329, %slice3A_330, %dot_general3A_331 {dimension_numbers = #tpu.dot_dimension_numbers<[1], [0], [0], [1], [0, 0, 1, 1], [], []>, transpose_lhs_hint = false} : vector<512x512xf32>, vector<512x256xf32>, vector<512x256xf32> -> vector<512x256xf32>
    %slice3A_333 = vector.extract_strided_slice %select_n3A_280 {offsets = [1024, 0], sizes = [512, 512], strides = [1, 1]} : vector<2048x512xf32> to vector<512x512xf32>
    %slice3A_334 = vector.extract_strided_slice %max3A_324 {offsets = [1024, 0], sizes = [512, 256], strides = [1, 1]} : vector<2048x256xf32> to vector<512x256xf32>
    %dot_general3A_335 = arith.constant dense<0.000000e+00> : vector<512x256xf32>
    %dot_general3A_336 = tpu.matmul %slice3A_333, %slice3A_334, %dot_general3A_335 {dimension_numbers = #tpu.dot_dimension_numbers<[1], [0], [0], [1], [0, 0, 1, 1], [], []>, transpose_lhs_hint = false} : vector<512x512xf32>, vector<512x256xf32>, vector<512x256xf32> -> vector<512x256xf32>
    %slice3A_337 = vector.extract_strided_slice %select_n3A_280 {offsets = [1536, 0], sizes = [512, 512], strides = [1, 1]} : vector<2048x512xf32> to vector<512x512xf32>
    %slice3A_338 = vector.extract_strided_slice %max3A_324 {offsets = [1536, 0], sizes = [512, 256], strides = [1, 1]} : vector<2048x256xf32> to vector<512x256xf32>
    %dot_general3A_339 = arith.constant dense<0.000000e+00> : vector<512x256xf32>
    %dot_general3A_340 = tpu.matmul %slice3A_337, %slice3A_338, %dot_general3A_339 {dimension_numbers = #tpu.dot_dimension_numbers<[1], [0], [0], [1], [0, 0, 1, 1], [], []>, transpose_lhs_hint = false} : vector<512x512xf32>, vector<512x256xf32>, vector<512x256xf32> -> vector<512x256xf32>
    %concatenate3A_341 = tpu.concatenate %dot_general3A_328, %dot_general3A_332, %dot_general3A_336, %dot_general3A_340 in 0 : vector<512x256xf32>, vector<512x256xf32>, vector<512x256xf32>, vector<512x256xf32> -> vector<2048x256xf32>
    %add3A_342 = arith.addf %max3A_324, %concatenate3A_341 : vector<2048x256xf32>
    %get3A_343 = arith.constant 0 : index
    %get3A_344 = arith.constant 0 : index
    %get3A_345 = vector.load %arg7[%get3A_343, %get3A_344] : memref<256x256xf32, #tpu.memory_space<vmem>>, vector<256x256xf32>
    %dot_general3A_346 = arith.constant dense<0.000000e+00> : vector<2048x256xf32>
    %dot_general3A_347 = tpu.matmul %add3A_342, %get3A_345, %dot_general3A_346 {dimension_numbers = #tpu.dot_dimension_numbers<[1], [0], [0], [1], [0, 0, 1, 1], [], []>, transpose_lhs_hint = false} : vector<2048x256xf32>, vector<256x256xf32>, vector<2048x256xf32> -> vector<2048x256xf32>
    %get3A_348 = arith.constant 0 : index
    %get3A_349 = arith.constant 0 : index
    %get3A_350 = vector.load %arg8[%get3A_348, %get3A_349] : memref<1x256xf32, #tpu.memory_space<vmem>>, vector<1x256xf32>
    %add3A_351 = vector.broadcast %get3A_350 : vector<1x256xf32> to vector<2048x256xf32>
    %add3A_352 = arith.addf %dot_general3A_347, %add3A_351 : vector<2048x256xf32>
    %max3A_353 = arith.constant 0.000000e+00 : f32
    %max3A_354 = vector.broadcast %max3A_353 : f32 to vector<2048x256xf32>
    %max3A_355 = arith.maximumf %add3A_352, %max3A_354 : vector<2048x256xf32>
    %get3A_356 = arith.constant 0 : index
    %get3A_357 = arith.constant 0 : index
    %get3A_358 = vector.load %arg9[%get3A_356, %get3A_357] : memref<256x256xf32, #tpu.memory_space<vmem>>, vector<256x256xf32>
    %dot_general3A_359 = arith.constant dense<0.000000e+00> : vector<2048x256xf32>
    %dot_general3A_360 = tpu.matmul %max3A_355, %get3A_358, %dot_general3A_359 {dimension_numbers = #tpu.dot_dimension_numbers<[1], [0], [0], [1], [0, 0, 1, 1], [], []>, transpose_lhs_hint = false} : vector<2048x256xf32>, vector<256x256xf32>, vector<2048x256xf32> -> vector<2048x256xf32>
    %get3A_361 = arith.constant 0 : index
    %get3A_362 = arith.constant 0 : index
    %get3A_363 = vector.load %arg10[%get3A_361, %get3A_362] : memref<1x256xf32, #tpu.memory_space<vmem>>, vector<1x256xf32>
    %add3A_364 = vector.broadcast %get3A_363 : vector<1x256xf32> to vector<2048x256xf32>
    %add3A_365 = arith.addf %dot_general3A_360, %add3A_364 : vector<2048x256xf32>
    %max3A_366 = arith.constant 0.000000e+00 : f32
    %max3A_367 = vector.broadcast %max3A_366 : f32 to vector<2048x256xf32>
    %max3A_368 = arith.maximumf %add3A_365, %max3A_367 : vector<2048x256xf32>
    %slice3A_369 = vector.extract_strided_slice %select_n3A_280 {offsets = [0, 0], sizes = [512, 512], strides = [1, 1]} : vector<2048x512xf32> to vector<512x512xf32>
    %slice3A_370 = vector.extract_strided_slice %max3A_368 {offsets = [0, 0], sizes = [512, 256], strides = [1, 1]} : vector<2048x256xf32> to vector<512x256xf32>
    %dot_general3A_371 = arith.constant dense<0.000000e+00> : vector<512x256xf32>
    %dot_general3A_372 = tpu.matmul %slice3A_369, %slice3A_370, %dot_general3A_371 {dimension_numbers = #tpu.dot_dimension_numbers<[1], [0], [0], [1], [0, 0, 1, 1], [], []>, transpose_lhs_hint = false} : vector<512x512xf32>, vector<512x256xf32>, vector<512x256xf32> -> vector<512x256xf32>
    %slice3A_373 = vector.extract_strided_slice %select_n3A_280 {offsets = [512, 0], sizes = [512, 512], strides = [1, 1]} : vector<2048x512xf32> to vector<512x512xf32>
    %slice3A_374 = vector.extract_strided_slice %max3A_368 {offsets = [512, 0], sizes = [512, 256], strides = [1, 1]} : vector<2048x256xf32> to vector<512x256xf32>
    %dot_general3A_375 = arith.constant dense<0.000000e+00> : vector<512x256xf32>
    %dot_general3A_376 = tpu.matmul %slice3A_373, %slice3A_374, %dot_general3A_375 {dimension_numbers = #tpu.dot_dimension_numbers<[1], [0], [0], [1], [0, 0, 1, 1], [], []>, transpose_lhs_hint = false} : vector<512x512xf32>, vector<512x256xf32>, vector<512x256xf32> -> vector<512x256xf32>
    %slice3A_377 = vector.extract_strided_slice %select_n3A_280 {offsets = [1024, 0], sizes = [512, 512], strides = [1, 1]} : vector<2048x512xf32> to vector<512x512xf32>
    %slice3A_378 = vector.extract_strided_slice %max3A_368 {offsets = [1024, 0], sizes = [512, 256], strides = [1, 1]} : vector<2048x256xf32> to vector<512x256xf32>
    %dot_general3A_379 = arith.constant dense<0.000000e+00> : vector<512x256xf32>
    %dot_general3A_380 = tpu.matmul %slice3A_377, %slice3A_378, %dot_general3A_379 {dimension_numbers = #tpu.dot_dimension_numbers<[1], [0], [0], [1], [0, 0, 1, 1], [], []>, transpose_lhs_hint = false} : vector<512x512xf32>, vector<512x256xf32>, vector<512x256xf32> -> vector<512x256xf32>
    %slice3A_381 = vector.extract_strided_slice %select_n3A_280 {offsets = [1536, 0], sizes = [512, 512], strides = [1, 1]} : vector<2048x512xf32> to vector<512x512xf32>
    %slice3A_382 = vector.extract_strided_slice %max3A_368 {offsets = [1536, 0], sizes = [512, 256], strides = [1, 1]} : vector<2048x256xf32> to vector<512x256xf32>
    %dot_general3A_383 = arith.constant dense<0.000000e+00> : vector<512x256xf32>
    %dot_general3A_384 = tpu.matmul %slice3A_381, %slice3A_382, %dot_general3A_383 {dimension_numbers = #tpu.dot_dimension_numbers<[1], [0], [0], [1], [0, 0, 1, 1], [], []>, transpose_lhs_hint = false} : vector<512x512xf32>, vector<512x256xf32>, vector<512x256xf32> -> vector<512x256xf32>
    %concatenate3A_385 = tpu.concatenate %dot_general3A_372, %dot_general3A_376, %dot_general3A_380, %dot_general3A_384 in 0 : vector<512x256xf32>, vector<512x256xf32>, vector<512x256xf32>, vector<512x256xf32> -> vector<2048x256xf32>
    %add3A_386 = arith.addf %max3A_368, %concatenate3A_385 : vector<2048x256xf32>
    %get3A_387 = arith.constant 0 : index
    %get3A_388 = arith.constant 0 : index
    %get3A_389 = vector.load %arg11[%get3A_387, %get3A_388] : memref<256x256xf32, #tpu.memory_space<vmem>>, vector<256x256xf32>
    %dot_general3A_390 = arith.constant dense<0.000000e+00> : vector<2048x256xf32>
    %dot_general3A_391 = tpu.matmul %add3A_386, %get3A_389, %dot_general3A_390 {dimension_numbers = #tpu.dot_dimension_numbers<[1], [0], [0], [1], [0, 0, 1, 1], [], []>, transpose_lhs_hint = false} : vector<2048x256xf32>, vector<256x256xf32>, vector<2048x256xf32> -> vector<2048x256xf32>
    %get3A_392 = arith.constant 0 : index
    %get3A_393 = arith.constant 0 : index
    %get3A_394 = vector.load %arg12[%get3A_392, %get3A_393] : memref<1x256xf32, #tpu.memory_space<vmem>>, vector<1x256xf32>
    %add3A_395 = vector.broadcast %get3A_394 : vector<1x256xf32> to vector<2048x256xf32>
    %add3A_396 = arith.addf %dot_general3A_391, %add3A_395 : vector<2048x256xf32>
    %max3A_397 = arith.constant 0.000000e+00 : f32
    %max3A_398 = vector.broadcast %max3A_397 : f32 to vector<2048x256xf32>
    %max3A_399 = arith.maximumf %add3A_396, %max3A_398 : vector<2048x256xf32>
    %get3A_400 = arith.constant 0 : index
    %get3A_401 = arith.constant 0 : index
    %get3A_402 = vector.load %arg13[%get3A_400, %get3A_401] : memref<256x256xf32, #tpu.memory_space<vmem>>, vector<256x256xf32>
    %dot_general3A_403 = arith.constant dense<0.000000e+00> : vector<2048x256xf32>
    %dot_general3A_404 = tpu.matmul %max3A_399, %get3A_402, %dot_general3A_403 {dimension_numbers = #tpu.dot_dimension_numbers<[1], [0], [0], [1], [0, 0, 1, 1], [], []>, transpose_lhs_hint = false} : vector<2048x256xf32>, vector<256x256xf32>, vector<2048x256xf32> -> vector<2048x256xf32>
    %get3A_405 = arith.constant 0 : index
    %get3A_406 = arith.constant 0 : index
    %get3A_407 = vector.load %arg14[%get3A_405, %get3A_406] : memref<1x256xf32, #tpu.memory_space<vmem>>, vector<1x256xf32>
    %add3A_408 = vector.broadcast %get3A_407 : vector<1x256xf32> to vector<2048x256xf32>
    %add3A_409 = arith.addf %dot_general3A_404, %add3A_408 : vector<2048x256xf32>
    %max3A_410 = arith.constant 0.000000e+00 : f32
    %max3A_411 = vector.broadcast %max3A_410 : f32 to vector<2048x256xf32>
    %max3A_412 = arith.maximumf %add3A_409, %max3A_411 : vector<2048x256xf32>
    %get3A_413 = arith.constant 0 : index
    %get3A_414 = arith.constant 0 : index
    %get3A_415 = vector.load %arg15[%get3A_413, %get3A_414] : memref<256x256xf32, #tpu.memory_space<vmem>>, vector<256x256xf32>
    %dot_general3A_416 = arith.constant dense<0.000000e+00> : vector<2048x256xf32>
    %dot_general3A_417 = tpu.matmul %max3A_412, %get3A_415, %dot_general3A_416 {dimension_numbers = #tpu.dot_dimension_numbers<[1], [0], [0], [1], [0, 0, 1, 1], [], []>, transpose_lhs_hint = false} : vector<2048x256xf32>, vector<256x256xf32>, vector<2048x256xf32> -> vector<2048x256xf32>
    %get3A_418 = arith.constant 0 : index
    %get3A_419 = arith.constant 0 : index
    %get3A_420 = vector.load %arg16[%get3A_418, %get3A_419] : memref<1x256xf32, #tpu.memory_space<vmem>>, vector<1x256xf32>
    %add3A_421 = vector.broadcast %get3A_420 : vector<1x256xf32> to vector<2048x256xf32>
    %add3A_422 = arith.addf %dot_general3A_417, %add3A_421 : vector<2048x256xf32>
    %tanh3A = math.tanh %add3A_422 : vector<2048x256xf32>
    %get3A_423 = arith.constant 0 : index
    %get3A_424 = arith.constant 0 : index
    %get3A_425 = vector.load %arg17[%get3A_423, %get3A_424] : memref<256x256xf32, #tpu.memory_space<vmem>>, vector<256x256xf32>
    %dot_general3A_426 = arith.constant dense<0.000000e+00> : vector<2048x256xf32>
    %dot_general3A_427 = tpu.matmul %max3A_412, %get3A_425, %dot_general3A_426 {dimension_numbers = #tpu.dot_dimension_numbers<[1], [0], [0], [1], [0, 0, 1, 1], [], []>, transpose_lhs_hint = false} : vector<2048x256xf32>, vector<256x256xf32>, vector<2048x256xf32> -> vector<2048x256xf32>
    %get3A_428 = arith.constant 0 : index
    %get3A_429 = arith.constant 0 : index
    %get3A_430 = vector.load %arg18[%get3A_428, %get3A_429] : memref<1x256xf32, #tpu.memory_space<vmem>>, vector<1x256xf32>
    %add3A_431 = vector.broadcast %get3A_430 : vector<1x256xf32> to vector<2048x256xf32>
    %add3A_432 = arith.addf %dot_general3A_427, %add3A_431 : vector<2048x256xf32>
    %logistic3A = arith.negf %add3A_432 : vector<2048x256xf32>
    %logistic3A_433 = math.exp %logistic3A : vector<2048x256xf32>
    %logistic3A_434 = arith.constant 1.000000e+00 : f32
    %logistic3A_435 = vector.broadcast %logistic3A_434 : f32 to vector<2048x256xf32>
    %logistic3A_436 = arith.addf %logistic3A_435, %logistic3A_433 : vector<2048x256xf32>
    %logistic3A_437 = arith.divf %logistic3A_435, %logistic3A_436 : vector<2048x256xf32>
    %mul3A_438 = arith.mulf %tanh3A, %logistic3A_437 : vector<2048x256xf32>
    %get3A_439 = arith.constant 0 : index
    %get3A_440 = arith.constant 0 : index
    %get3A_441 = vector.load %arg19[%get3A_439, %get3A_440] : memref<1x256xf32, #tpu.memory_space<vmem>>, vector<1x256xf32>
    %mul3A_442 = vector.broadcast %get3A_441 : vector<1x256xf32> to vector<2048x256xf32>
    %mul3A_443 = arith.mulf %mul3A_438, %mul3A_442 : vector<2048x256xf32>
    %reduce_sum3A = arith.constant dense<0.000000e+00> : vector<2048xf32>
    %reduce_sum3A_444 = vector.multi_reduction <add>, %mul3A_443, %reduce_sum3A [1] : vector<2048x256xf32> to vector<2048xf32>
    %broadcast_in_dim3A_445 = vector.shape_cast %reduce_sum3A_444 : vector<2048xf32> to vector<1x2048xf32>
    %reduce_max3A = vector.shape_cast %broadcast_in_dim3A_445 : vector<1x2048xf32> to vector<1x1x2048xf32>
    %reduce_max3A_446 = arith.constant dense<0xFF800000> : vector<1xf32>
    %reduce_max3A_447 = vector.multi_reduction <maximumf>, %reduce_max3A, %reduce_max3A_446 [1, 2] : vector<1x1x2048xf32> to vector<1xf32>
    %reduce_max3A_448 = vector.shape_cast %reduce_max3A_447 : vector<1xf32> to vector<1x1x1xf32>
    %reduce_max3A_449 = vector.extract %reduce_max3A_448[0, 0, 0] : f32 from vector<1x1x1xf32>
    %sub3A_450 = vector.broadcast %reduce_max3A_449 : f32 to vector<1x2048xf32>
    %sub3A_451 = arith.subf %broadcast_in_dim3A_445, %sub3A_450 : vector<1x2048xf32>
    %exp3A = math.exp %sub3A_451 : vector<1x2048xf32>
    %reduce_sum3A_452 = vector.shape_cast %exp3A : vector<1x2048xf32> to vector<1x1x2048xf32>
    %reduce_sum3A_453 = arith.constant dense<0.000000e+00> : vector<1xf32>
    %reduce_sum3A_454 = vector.multi_reduction <add>, %reduce_sum3A_452, %reduce_sum3A_453 [1, 2] : vector<1x1x2048xf32> to vector<1xf32>
    %reduce_sum3A_455 = vector.shape_cast %reduce_sum3A_454 : vector<1xf32> to vector<1x1x1xf32>
    %reduce_sum3A_456 = vector.extract %reduce_sum3A_455[0, 0, 0] : f32 from vector<1x1x1xf32>
    %div3A = vector.broadcast %reduce_sum3A_456 : f32 to vector<1x2048xf32>
    %div3A_457 = arith.divf %exp3A, %div3A : vector<1x2048xf32>
    %dot_general3A_458 = arith.constant dense<0.000000e+00> : vector<1x256xf32>
    %dot_general3A_459 = tpu.matmul %div3A_457, %max3A_412, %dot_general3A_458 {dimension_numbers = #tpu.dot_dimension_numbers<[1], [0], [0], [1], [0, 0, 1, 1], [], []>, transpose_lhs_hint = false} : vector<1x2048xf32>, vector<2048x256xf32>, vector<1x256xf32> -> vector<1x256xf32>
    %get3A_460 = arith.constant 0 : index
    %get3A_461 = arith.constant 0 : index
    %get3A_462 = vector.load %arg20[%get3A_460, %get3A_461] : memref<256x256xf32, #tpu.memory_space<vmem>>, vector<256x256xf32>
    %dot_general3A_463 = arith.constant dense<0.000000e+00> : vector<1x256xf32>
    %dot_general3A_464 = tpu.matmul %dot_general3A_459, %get3A_462, %dot_general3A_463 {dimension_numbers = #tpu.dot_dimension_numbers<[1], [0], [0], [1], [0, 0, 1, 1], [], []>, transpose_lhs_hint = false} : vector<1x256xf32>, vector<256x256xf32>, vector<1x256xf32> -> vector<1x256xf32>
    %get3A_465 = arith.constant 0 : index
    %get3A_466 = arith.constant 0 : index
    %get3A_467 = vector.load %arg21[%get3A_465, %get3A_466] : memref<1x256xf32, #tpu.memory_space<vmem>>, vector<1x256xf32>
    %add3A_468 = arith.addf %dot_general3A_464, %get3A_467 : vector<1x256xf32>
    %max3A_469 = arith.constant 0.000000e+00 : f32
    %max3A_470 = vector.broadcast %max3A_469 : f32 to vector<1x256xf32>
    %max3A_471 = arith.maximumf %add3A_468, %max3A_470 : vector<1x256xf32>
    %get3A_472 = arith.constant 0 : index
    %get3A_473 = arith.constant 0 : index
    %get3A_474 = vector.load %arg22[%get3A_472, %get3A_473] : memref<256x4xf32, #tpu.memory_space<vmem>>, vector<256x4xf32>
    %dot_general3A_475 = arith.constant dense<0.000000e+00> : vector<1x4xf32>
    %dot_general3A_476 = tpu.matmul %max3A_471, %get3A_474, %dot_general3A_475 {dimension_numbers = #tpu.dot_dimension_numbers<[1], [0], [0], [1], [0, 0, 1, 1], [], []>, transpose_lhs_hint = false} : vector<1x256xf32>, vector<256x4xf32>, vector<1x4xf32> -> vector<1x4xf32>
    %get3A_477 = arith.constant 0 : index
    %get3A_478 = arith.constant 0 : index
    %get3A_479 = vector.load %arg23[%get3A_477, %get3A_478] : memref<1x4xf32, #tpu.memory_space<vmem>>, vector<1x4xf32>
    %add3A_480 = arith.addf %dot_general3A_476, %get3A_479 : vector<1x4xf32>
    %swap3A = arith.constant 0 : index
    %swap3A_481 = arith.constant 0 : index
    %swap3A_482 = vector.load %arg24[%swap3A, %swap3A_481] : memref<1x4xf32, #tpu.memory_space<vmem>>, vector<1x4xf32>
    tpu.vector_store %arg24[%swap3A, %swap3A_481], %add3A_480 {strides = array<i32>} : memref<1x4xf32, #tpu.memory_space<vmem>>, vector<1x4xf32>,
    return
  }
}

</mosaic_0001>

<sc_bundles>
// kernel: kernel.6.cloned.1.call-start
scs
__scs_entry_jumppad:
0x0: {  	(pc) =	sbr.rel $0x88, $3  }
0x1: {  	(tag) =	ssettag $0x0;
	lr =	simm.s32 $0x1  }
0x2: {  	[smem:$0x3F85] =	sst lr;
	_ =	strace $0xD0000000  }
0x3: {  	_ = 	snop  }
0x4: {  	_ = 	snop  }
0x5: {  	_ = 	snop  }
0x6: {  	_ = 	snop  }
0x7: {  	_ = 	snop  }
__scs_overlays_trampoline_lowered:
0x8: {  	[smem:$0x3F94] =	sst s0  }
0x9: {  	[smem:$0x3F95] =	sst s1  }
0xa: {  	[smem:$0x3F96] =	sst s2  }
0xb: {  	[smem:$0x3F97] =	sst s3  }
0xc: {  	[smem:$0x3F98] =	sst s4  }
0xd: {  	[smem:$0x3F99] =	sst s5  }
0xe: {  	[smem:$0x3F9A] =	sst s6  }
0xf: {  	[smem:$0x3F9B] =	sst s7  }
0x10: {  	[smem:$0x3F9C] =	sst s8  }
0x11: {  	[smem:$0x3F9D] =	sst s9;
	s0 =	simm.s32 @!p0 $0x0  }
0x12: {  	s1 =	sld [smem:$0x3F83];
	s0 =	simm.s32 @p0 $0x1  }
0x13: {  	[smem:$0x3F9E] =	sst s0;
	s0 =	simm.s32 @!p1 $0x0  }
0x14: {  	s2 =	sld [smem:$0x3F82];
	s0 =	simm.s32 @p1 $0x1  }
0x15: {  	[smem:$0x3F9F] =	sst s0;
	s0 =	simm.s32 @!p2 $0x0  }
0x16: {  	s3 =	sld [smem:$0x3FDB];
	s0 =	simm.s32 @p2 $0x1  }
0x17: {  	s4 =	simm.s32 $0x1BF5;
	[smem:$0x3FA1] =	sst s0  }
0x18: {  	s0 =	sld [smem:$0x3F84];
	_ =	swait.ge [sflag:s4], $0x0  }
0x19: {  	s7 =	sld [smem:$0x3F85]  }
0x1a: {  	s8 =	sadd.s32 $0xFFFFE003, lr  }
0x1b: {  	s9 =	sadd.s32 $0xFFFFFEF7, lr;
	s5 =	simm.s32 $0xFFFFFFFF;
	p2 =	slt.u32 s8, $0xFFFFF086  }
0x1c: {  	p1 =	slt.u32 s9, $0xF7A;
	s5 =	simm.s32 @!p2 $0x0  }
0x1d: {  	s5 =	simm.s32 @p1 $0x1;
	p0 =	seq.s32 s7, s2  }
0x1e: {  	s7 =	smul.u32 @!p0 $0xF7A, s2;
	p2 =	seq.s32 @!p0 s5, $0x0  }
0x1f: {  	s9 =	smul.u32 $0xF7A, s1;
	s8 =	simm.s32 @!p0 $0x1BF5;
	p2 =	por !p2, p0  }
0x20: {  	[sflag:s8] =	ssyncset.s32 @!p0 $0xFFFFF086;
	s6 =	sadd.s32 @!p0 s3, s7;
	s7 =	simm.s32 @!p0 $0x108  }
0x21: {  	s3 =	sadd.s32 s3, s9;
	s6 =	sadd.s32 @!p0 $0x88, s6;
	s7 =	simm.s32 @p2 $0x1082  }
0x22: {  	[simem:s7], [sflag:s8] =	dma.local @!p0 [hbm:s6], $0xF7A  }
0x23: {  	s9 =	sor.u32 $0xD0000000, s2;
	s6 =	simm.s32 $0x108;
	_ =	swait.ge @!p0 [sflag:s8], $0x0  }
0x24: {  	s3 =	sadd.s32 $0x88, s3;
	s6 =	simm.s32 @!p1 $0x1082;
	[sflag:s4] =	ssyncset.s32 $0xFFFFF086  }
0x25: {  	[simem:s6], [sflag:s4] =	dma.local [hbm:s3], $0xF7A  }
0x26: {  	[smem:$0x3F85] =	sst s1;
	(tag) =	ssettag s2;
	_ =	strace s9  }
0x27: {  	s1 =	sld [smem:$0x3F95]  }
0x28: {  	s2 =	sld [smem:$0x3F96]  }
0x29: {  	s4 =	sld [smem:$0x3F98]  }
0x2a: {  	p0 =	seq.s32 s5, $0x0;
	s5 =	sld [smem:$0x3F99]  }
0x2b: {  	s6 =	sld [smem:$0x3F9A]  }
0x2c: {  	s7 =	sld [smem:$0x3F9B]  }
0x2d: {  	s3 =	simm.s32 $0x108;
	s8 =	sld [smem:$0x3F9C]  }
0x2e: {  	s3 =	simm.s32 @!p0 $0x1082;
	s9 =	sld [smem:$0x3F9D]  }
0x2f: {  	lr =	sadd.s32 s0, s3;
	s0 =	sld [smem:$0x3F94]  }
0x30: {  	s3 =	sld [smem:$0x3F97]  }
0x31: {  	[smem:$0x3FA0] =	sst s10  }
0x32: {  	s10 =	sld [smem:$0x3F9E];
	_ =	sdelay $0x3  }
0x33: {  	p0 =	seq.s32 s10, $0x1;
	s10 =	sld [smem:$0x3FA0];
	_ =	sdelay $0x3  }
0x34: {  	[smem:$0x3FA0] =	sst s10  }
0x35: {  	s10 =	sld [smem:$0x3F9F];
	_ =	sdelay $0x3  }
0x36: {  	p1 =	seq.s32 s10, $0x1;
	s10 =	sld [smem:$0x3FA0];
	_ =	sdelay $0x3  }
0x37: {  	[smem:$0x3FA0] =	sst s10  }
0x38: {  	s10 =	sld [smem:$0x3FA1]  }
0x39: {  	_ = 	snop;
	(pc) =	sbr.ind lr, $3  }
0x3a: {  	_ = 	snop  }
0x3b: {  	_ = 	snop  }
0x3c: {  	p2 =	seq.s32 s10, $0x1;
	s10 =	sld [smem:$0x3FA0]  }
0x3d: {  	_ =	shalt  }
0x3e: {  	_ =	shalt  }
0x3f: {  	_ =	shalt  }
0x40: {  	_ =	shalt  }
0x41: {  	_ =	shalt  }
0x42: {  	_ =	shalt  }
0x43: {  	_ =	shalt  }
0x44: {  	_ =	shalt  }
0x45: {  	_ =	shalt  }
0x46: {  	_ =	shalt  }
0x47: {  	_ =	shalt  }
0x48: {  	_ =	shalt  }
0x49: {  	_ =	shalt  }
0x4a: {  	_ =	shalt  }
0x4b: {  	_ =	shalt  }
0x4c: {  	_ =	shalt  }
0x4d: {  	_ =	shalt  }
0x4e: {  	_ =	shalt  }
0x4f: {  	_ =	shalt  }
0x50: {  	_ =	shalt  }
0x51: {  	_ =	shalt  }
0x52: {  	_ =	shalt  }
0x53: {  	_ =	shalt  }
0x54: {  	_ =	shalt  }
0x55: {  	_ =	shalt  }
0x56: {  	_ =	shalt  }
0x57: {  	_ =	shalt  }
0x58: {  	_ =	shalt  }
0x59: {  	_ =	shalt  }
0x5a: {  	_ =	shalt  }
0x5b: {  	_ =	shalt  }
0x5c: {  	_ =	shalt  }
0x5d: {  	_ =	shalt  }
0x5e: {  	_ =	shalt  }
0x5f: {  	_ =	shalt  }
0x60: {  	_ =	shalt  }
0x61: {  	_ =	shalt  }
0x62: {  	_ =	shalt  }
0x63: {  	_ =	shalt  }
0x64: {  	_ =	shalt  }
0x65: {  	_ =	shalt  }
0x66: {  	_ =	shalt  }
0x67: {  	_ =	shalt  }
0x68: {  	_ =	shalt  }
0x69: {  	_ =	shalt  }
0x6a: {  	_ =	shalt  }
0x6b: {  	_ =	shalt  }
0x6c: {  	_ =	shalt  }
0x6d: {  	_ =	shalt  }
0x6e: {  	_ =	shalt  }
0x6f: {  	_ =	shalt  }
0x70: {  	_ =	shalt  }
0x71: {  	_ =	shalt  }
0x72: {  	_ =	shalt  }
0x73: {  	_ =	shalt  }
0x74: {  	_ =	shalt  }
0x75: {  	_ =	shalt  }
0x76: {  	_ =	shalt  }
0x77: {  	_ =	shalt  }
0x78: {  	_ =	shalt  }
0x79: {  	_ =	shalt  }
0x7a: {  	_ =	shalt  }
0x7b: {  	_ =	shalt  }
0x7c: {  	_ =	shalt  }
0x7d: {  	_ =	shalt  }
0x7e: {  	_ =	shalt  }
0x7f: {  	_ =	shalt  }
0x80: {  	_ =	shalt  }
0x81: {  	_ =	shalt  }
0x82: {  	_ =	shalt  }
0x83: {  	_ =	shalt  }
0x84: {  	_ =	shalt  }
0x85: {  	_ =	shalt  }
0x86: {  	_ =	shalt  }
0x87: {  	_ =	shalt  }
.Lfunc_end0:
.L_simem_size_0:
called_computation_lowered:
.L_overlay_start_0:
0x88: {  	s2 =	sld [smem:$0x3FD9]  }
0x89: {  	s3 =	sld [smem:$0x3FFE];
	_ =	sdelay $0x1  }
0x8a: {  	s1 =	srdreg.scid  }
0x8b: {  	s0 =	sand.u32 $0x1, s1  }
0x8c: {  	s17 =	sshll.u32 s0, $0xA;
	s2 =	sadd.s32 s3, s2  }
0x8d: {  	s2 =	sadd.s32 s2, s17  }
0x8e: {  	[smem:$0x3FAC] =	sst s2  }
0x8f: {  	_ = 	snop  }
0x90: {  	s2 =	sld [smem:$0x3FC9]  }
0x91: {  	s18 =	sld [smem:$0x3FD0];
	(tm) =	ssettm $0x1  }
0x92: {  	s4 =	sld [smem:$0x3FFB];
	_ =	sdelay $0x3  }
0x93: {  	_ =	strace s4  }
0x94: {  	s4 =	sld [smem:$0x3FFC];
	_ =	sdelay $0x3  }
0x95: {  	_ =	strace s4  }
0x96: {  	s4 =	sld [smem:$0x3FFD];
	_ =	sdelay $0x3  }
0x97: {  	_ =	strace s4  }
0x98: {  	_ =	strace $0x8FFFFFFF  }
0x99: {  	s19 =	sld [smem:$0x3FDB];
	_ =	sdelay $0x1  }
0x9a: {  	s5 =	simm.s32 $_scs_section_size  }
0x9b: {  	s6 =	simm.s32 $_size__tile_overlayer_lowered;
	s7 =	simm.s32 $_tile_overlayer_lowered  }
0x9c: {  	s22 =	simm.s32 $0x1BFF;
	s21 =	sshll.u32 s7, $0x1;
	s4 =	sadd.s32 s5, s19  }
0x9d: {  	s8 =	simm.s32 $0x0;
	s20 =	sshll.u32 s6, $0x1;
	s6 =	sadd.s32 s21, s4  }
0x9e: {  	[timem:s8], [sflag:s22] =	dma.local [hbm:s6], s20  }
0x9f: {  	_ =	swait.ge [sflag:s22], s20  }
0xa0: {  	s5 =	ssub.s32 $0x0, s20;
	[sflag:s22] =	ssyncset.done $0x0  }
0xa1: {  	[sflag:s22] =	ssyncadd.s32 s5;
	_ =	sdelay $0x1  }
0xa2: {  	s23 =	simm.s32 $0x1B8B  }
0xa3: {  	_ =	swait.ge [sflag:s23], $0x1  }
0xa4: {  	[sflag:s23] =	ssyncset.done $0x0  }
0xa5: {  	s25 =	simm.s32 $0x1B8E;
	s24 =	sld [smem:$0x3FFE];
	[sflag:s23] =	ssyncadd.s32 $0xFFFFFFFF  }
0xa6: {  	s26 =	simm.s32 $execute0_lowered;
	[smem:$0x3FD2] =	sst s25  }
0xa7: {  	s6 =	sshll.u32 s26, $0x1;
	_ =	strace $0x80000046;
	[dreg:$0x1] =	wrdreg $0xFFFFFFFF  }
0xa8: {  	s28 =	simm.s32 $_size_execute0_lowered;
	s4 =	sadd.s32 s4, s6;
	[dreg:$0x0] =	wrdreg $0x0  }
0xa9: {  	s6 =	sshll.u32 s28, $0x1;
	[dreg:$0x2] =	wrdreg s4  }
0xaa: {  	[dreg:$0x3] =	wrdreg s6  }
0xab: {  	[dreg:$0x4] =	wrdreg $0xC0  }
0xac: {  	_ =	task [dreg:s8], $0x5FFFF  }
0xad: {  	[dreg:$0x1] =	wrdreg $0xFFFFFFFF  }
0xae: {  	[dreg:$0x0] =	wrdreg $0x60  }
0xaf: {  	[dreg:$0x2] =	wrdreg s24  }
0xb0: {  	[dreg:$0x3] =	wrdreg s18  }
0xb1: {  	[dreg:$0x4] =	wrdreg s2  }
0xb2: {  	[dreg:$0x5] =	wrdreg $0x6A800  }
0xb3: {  	[dreg:$0x6] =	wrdreg $0x9  }
0xb4: {  	_ =	task.clear_ibuf [dreg:s8], $0x7FFFF;
	_ =	strace $0x90000046  }
0xb5: {  	s29 =	simm.s32 $0x9;
	_ =	strace $0x80000048  }
0xb6: {  	_ =	swait.ge [sflag:s29], $0x1  }
0xb7: {  	[sflag:s29] =	ssyncadd.s32 $0xFFFFFFFF  }
0xb8: {  	_ =	strace $0x90000048  }
0xb9: {  	_ =	sfence  }
0xba: {  	s30 =	sld [smem:$0x0];
	_ =	sdelay $0x2  }
0xbb: {  	s31 =	sshll.u32 s1, $0xD;
	s1 =	sshrl.u32 s1, $0x2  }
0xbc: {  	s3 =	sand.u32 $0x4000, s31;
	s1 =	sadd.s32 s1, s30  }
0xbd: {  	s0 =	sor.u32 s3, s0;
	s1 =	sshll.u32 s1, $0x11  }
0xbe: {  	s0 =	sor.u32 s1, s0  }
0xbf: {  	s0 =	sadd.s32 $0x8F2B, s0  }
0xc0: {  	[sflag:s0] =	ssyncadd.remote.s32 $0x1  }
0xc1: {  	_ =	sfence.sel $0xFFFF  }
0xc2: {  	[dreg:$0x0] =	wrdreg $0xFFFFFFFF;
	(pc) =	sbr.abs _section_cstart, $3  }
0xc3: {  	[dreg:$0x1] =	wrdreg $0xFFFFFFFF  }
0xc4: {  	_ =	task.clear_ibuf [dreg:s8], $0x2FFFF;
	_ =	strace $0x9FFFFFFF  }
0xc5: {  	(tm) =	ssettm $0x7FFFFFFF  }
tec
execute0_lowered:
.L_overlay_start_1:
0x0: {  	(tag) =	ssettag $0x1  }
0x1: {  	s0 =	rddreg [dreg:$0x0]  }
0x2: {  	s1 =	rddreg [dreg:$0x1]  }
0x3: {  	s2 =	rddreg [dreg:$0x2]  }
0x4: {  	s4 =	rddreg [dreg:$0x3];
	s3 =	simm.s32 $0x0  }
0x5: {  	s18 =	stileid.u32;
	s6 =	srdreg.scid;
	s28 =	simm.s32 $0x8B80  }
0x6: {  	s29 =	simm.s32 $0x9380;
	s30 =	simm.s32 $0x9B80;
	[smem:$0x7FF] =	sst s3  }
0x7: {  	s5 =	sshll.u32 s18, $0xA;
	s6 =	sand.u32 $0x1, s6;
	s7 =	sadd.s32 $0x4E00, s0  }
0x8: {  	s8 =	sshll.u32 s18, $0x7;
	s10 =	sadd.s32 $0x7000, s0;
	s19 =	sshll.u32 s18, $0xD  }
0x9: {  	s20 =	sshll.u32 s18, $0x1;
	s21 =	sshllo.u32 s18, $0x1;
	s22 =	sshll.u32 s18, $0xB  }
0xa: {  	s15 =	sadd.s32 $0x300, s2;
	p0 =	sgt.u32 s18, $0x3;
	s18 =	simm.s32 $0x2  }
0xb: {  	_ =	strace $0x80000047;
	s5 =	sadd.s32 s5, s0;
	s9 =	sshll.u32 s6, $0x6  }
0xc: {  	s11 =	ssub.s32 $0x2, s6;
	s12 =	sadd.s32 s8, s0;
	s1 =	sadd.s32 s1, s20  }
0xd: {  	s23 =	sshll.u32 s21, $0xA;
	s24 =	sadd.s32 s7, s22;
	s25 =	sadd.s32 s10, s8  }
0xe: {  	s26 =	sshll.u32 s21, $0x6;
	s20 =	simm.s32 $0x2080;
	s21 =	simm.s32 $0x4080  }
0xf: {  	p1 =	sne.s32 s6, $0x0;
	v0 =	vmov s19;
	s19 =	simm.s32 $0x13B80;
	s6 =	simm.s32 $0x15B80  }
0x10: {  	s9 =	sor.u32 s9, s8;
	s14 =	sshrl.u32 s11, $0x1;
	[dreg:$0x6] =	wrdreg s1  }
0x11: {  	s5 =	sadd.s32 $0x3E00, s5;
	[dreg:$0x7] =	wrdreg s24;
	s1 =	sshrl.u32 s22, $0x2  }
0x12: {  	[dreg:$0xa] =	wrdreg s25;
	s31 =	sadd.s32 $0x6E00, s12;
	s22 =	simm.s32 $0x6680  }
0x13: {  	s25 =	simm.s32 $0x6B80;
	s24 =	simm.s32 $0x7B80;
	s8 =	simm.s32 $0x1  }
0x14: {  	s13 =	sshll.u32 s9, $0x7;
	s11 =	ssub.s32 s11, s14;
	[dreg:$0x5] =	wrdreg s5  }
0x15: {  	s5 =	sadd.s32 s7, s23;
	s1 =	sadd.s32 s1, s4;
	[dreg:$0xc] =	wrdreg s31  }
0x16: {  	s12 =	sadd.s32 s9, s4;
	s14 =	sadd.s32 $0x200, s2;
	s23 =	simm.s32 $0x14380  }
0x17: {  	s4 =	simm.s32 $0x14B80;
	s7 =	simm.s32 $0x16380;
	s9 =	simm.s32 $0x0  }
.Ltmp0:
0x18: {  	s0 =	sadd.s32 s13, s0;
	[dreg:$0x8] =	wrdreg s5;
	(pc) =	sbr.rel .LBB2_1-.Ltmp0, $4  }
0x19: {  	[dreg:$0x9] =	wrdreg s1;
	s1 =	sadd.s32 s10, s26;
	s13 =	sadd.s32 $0x100, s2  }
0x1a: {  	v1 =	vimm.s32 $0x0;
	v2 =	vlaneseq.u32;
	s17 =	smax.u32 s11, $0x1;
	s10 =	simm.s32 $0x6B00;
	s11 =	simm.s32 $0x7380  }
0x1b: {  	vm0 =	vmmov $0xffff;
	v3 =	vmul.u32 $0x2, v2;
	v5 =	vshrl.u32 v2, $0x3;
	s26 =	simm.s32 $0x8380;
	s5 =	simm.s32 $0x15380;
	[dreg:$0xb] =	wrdreg s1  }
0x1c: {  	v4 =	vand.u32 $0x7, v2;
	v6 =	vor.u32 $0x8, v2;
	v5 =	vmul.u32 $0x8, v5;
	s16 =	sadd.s32 $0x7200, s0;
	s0 =	simm.s32 $0x12B80;
	s1 =	simm.s32 $0x13380  }
.LBB2_6:
0x1d: {  	[tilespmem:s11+$0x0] =	vst v7;
	s10 =	rddreg [dreg:$0x9];
	s31 =	simm.s32 $0x6080  }
0x1e: {  	[spmem:s10] =	stream.linear.scatter [tilespmem:s31], [sflag:$0x2], $0x200, $0x38;
	[tilespmem:$0x16B80] =	vst v63  }
0x1f: {  	_ =	swait.ge [sflag:s18], $0x200  }
0x20: {  	s11 =	simm.s32 @!p1 $0x6280;
	[sflag:s18] =	ssyncset.done $0x0  }
0x21: {  	s10 =	simm.s32 @!p1 $0x0;
	s24 =	rddreg [dreg:$0xa];
	[sflag:s18] =	ssyncadd.s32 $0xFFFFFE00  }
0x22: {  	[hbm4b:s24+s10] =	stream.linear.scatter @!p1 [tilespmem:s11], [sflag:$0x2], $0x200, $0x38;
	[tilespmem:$0x16B80] =	vst v63  }
0x23: {  	s11 =	simm.s32 @!p1 $0x2  }
0x24: {  	_ =	swait.ge @!p1 [sflag:s11], $0x200  }
0x25: {  	[sflag:s11] =	ssyncset.done @!p1 $0x0  }
0x26: {  	s24 =	simm.s32 @!p1 $0x6480;
	s26 =	rddreg [dreg:$0xb];
	[sflag:s11] =	ssyncadd.s32 @!p1 $0xFFFFFE00  }
0x27: {  	[hbm4b:s26+s10] =	stream.linear.scatter @!p1 [tilespmem:s24], [sflag:$0x2], $0x200, $0x38;
	[tilespmem:$0x16B80] =	vst v63  }
0x28: {  	_ =	swait.ge @!p1 [sflag:s11], $0x200  }
0x29: {  	s28 =	simm.s32 $0x8B80;
	[sflag:s11] =	ssyncset.done @!p1 $0x0  }
0x2a: {  	s24 =	simm.s32 @!p1 $0x6680;
	s26 =	rddreg [dreg:$0xc];
	[sflag:s11] =	ssyncadd.s32 @!p1 $0xFFFFFE00  }
0x2b: {  	[hbm4b:s26+s10] =	stream.linear.scatter @!p1 [tilespmem:s24], [sflag:$0x2], $0x400, $0x38;
	[tilespmem:$0x16B80] =	vst v63  }
0x2c: {  	s29 =	simm.s32 $0x9380;
	s30 =	simm.s32 $0x9B80;
	_ =	swait.ge @!p1 [sflag:s11], $0x400  }
0x2d: {  	s10 =	simm.s32 $0x6B00;
	s24 =	simm.s32 $0x7B80;
	[sflag:s11] =	ssyncset.done @!p1 $0x0  }
0x2e: {  	s26 =	simm.s32 $0x8380;
	[sflag:s11] =	ssyncadd.s32 @!p1 $0xFFFFFC00;
	s11 =	simm.s32 $0x7380  }
.LBB2_7:
0x2f: {  	[bflag:$0x0] =	sbarrier.arrive $0xFFFF  }
0x30: {  	[tilespmem:s10], [sflag:$0x2] =	stream.linear.gather [spmem:s12], $0x40, $0x38;
	[tilespmem:$0x16B80] =	vst v63  }
0x31: {  	_ =	swait.ge [sflag:s18], $0x40  }
0x32: {  	[sflag:s18] =	ssyncset.done $0x0  }
0x33: {  	[sflag:s18] =	ssyncadd.s32 $0xFFFFFFC0  }
0x34: {  	v7 =	vld [tilespmem:$0x6B00];
	_ =	sdelay $0x4  }
0x35: {  	v8 =	vshll.u32 v7, $0x3  }
0x36: {  	v7 =	vand.u32 $0x7, v7;
	v8 =	vand.u32 $0xFFFFFFC0, v8  }
0x37: {  	v7 =	vor.u32 v7, v8  }
0x38: {  	v8 =	vperm.xlane v7, v4;
	_ =	sdelay $0x1  }
0x39: {  	v8 =	vadd.s32 v5, v8;
	_ =	sdelay $0x4  }
0x3a: {  	[tilespmem:s25], [sflag:$0x1] =	stream.indirect_vreg.gather [hbm4b:s2+s3], $0x80, v8, vm0, $0xb8;
	[tilespmem:$0x16B80] =	vst v63  }
0x3b: {  	v7 =	vperm.xlane v7, v6  }
0x3c: {  	[tilespmem:s11], [sflag:$0x1] =	stream.indirect_vreg.gather [hbm4b:s13+s3], $0x80, v8, vm0, $0xb8;
	[tilespmem:$0x16B80] =	vst v63  }
0x3d: {  	v7 =	vadd.s32 v5, v7  }
0x3e: {  	[tilespmem:s24], [sflag:$0x1] =	stream.indirect_vreg.gather [hbm4b:s14+s3], $0x80, v8, vm0, $0xb8;
	[tilespmem:$0x16B80] =	vst v63  }
0x3f: {  	_ = 	snop  }
0x40: {  	[tilespmem:s26], [sflag:$0x1] =	stream.indirect_vreg.gather [hbm4b:s15+s3], $0x80, v8, vm0, $0xb8;
	[tilespmem:$0x16B80] =	vst v63  }
0x41: {  	_ = 	snop  }
0x42: {  	[tilespmem:s28], [sflag:$0x1] =	stream.indirect_vreg.gather [hbm4b:s2+s3], $0x80, v7, vm0, $0xb8;
	[tilespmem:$0x16B80] =	vst v63  }
0x43: {  	_ = 	snop  }
0x44: {  	[tilespmem:s29], [sflag:$0x1] =	stream.indirect_vreg.gather [hbm4b:s13+s3], $0x80, v7, vm0, $0xb8;
	[tilespmem:$0x16B80] =	vst v63  }
0x45: {  	_ = 	snop  }
0x46: {  	[tilespmem:s30], [sflag:$0x1] =	stream.indirect_vreg.gather [hbm4b:s14+s3], $0x80, v7, vm0, $0xb8;
	[tilespmem:$0x16B80] =	vst v63  }
0x47: {  	s31 =	simm.s32 $0xA380  }
0x48: {  	[tilespmem:s31], [sflag:$0x1] =	stream.indirect_vreg.gather [hbm4b:s15+s3], $0x80, v7, vm0, $0xb8;
	[tilespmem:$0x16B80] =	vst v63  }
0x49: {  	v7 =	vld [tilespmem:$0x6B10];
	_ =	sdelay $0x4  }
0x4a: {  	v8 =	vshll.u32 v7, $0x3  }
0x4b: {  	v7 =	vand.u32 $0x7, v7;
	v8 =	vand.u32 $0xFFFFFFC0, v8  }
0x4c: {  	v7 =	vor.u32 v7, v8  }
0x4d: {  	v8 =	vperm.xlane v7, v4;
	_ =	sdelay $0x1  }
0x4e: {  	v8 =	vadd.s32 v5, v8;
	_ =	sdelay $0x3  }
0x4f: {  	s31 =	simm.s32 $0xAB80  }
0x50: {  	[tilespmem:s31], [sflag:$0x1] =	stream.indirect_vreg.gather [hbm4b:s2+s3], $0x80, v8, vm0, $0xb8;
	[tilespmem:$0x16B80] =	vst v63  }
0x51: {  	v7 =	vperm.xlane v7, v6;
	s31 =	simm.s32 $0xB380  }
0x52: {  	[tilespmem:s31], [sflag:$0x1] =	stream.indirect_vreg.gather [hbm4b:s13+s3], $0x80, v8, vm0, $0xb8;
	[tilespmem:$0x16B80] =	vst v63  }
0x53: {  	v7 =	vadd.s32 v5, v7;
	s31 =	simm.s32 $0xBB80  }
0x54: {  	[tilespmem:s31], [sflag:$0x1] =	stream.indirect_vreg.gather [hbm4b:s14+s3], $0x80, v8, vm0, $0xb8;
	[tilespmem:$0x16B80] =	vst v63  }
0x55: {  	s31 =	simm.s32 $0xC380  }
0x56: {  	[tilespmem:s31], [sflag:$0x1] =	stream.indirect_vreg.gather [hbm4b:s15+s3], $0x80, v8, vm0, $0xb8;
	[tilespmem:$0x16B80] =	vst v63  }
0x57: {  	s31 =	simm.s32 $0xCB80  }
0x58: {  	[tilespmem:s31], [sflag:$0x1] =	stream.indirect_vreg.gather [hbm4b:s2+s3], $0x80, v7, vm0, $0xb8;
	[tilespmem:$0x16B80] =	vst v63  }
0x59: {  	s31 =	simm.s32 $0xD380  }
0x5a: {  	[tilespmem:s31], [sflag:$0x1] =	stream.indirect_vreg.gather [hbm4b:s13+s3], $0x80, v7, vm0, $0xb8;
	[tilespmem:$0x16B80] =	vst v63  }
0x5b: {  	s31 =	simm.s32 $0xDB80  }
0x5c: {  	[tilespmem:s31], [sflag:$0x1] =	stream.indirect_vreg.gather [hbm4b:s14+s3], $0x80, v7, vm0, $0xb8;
	[tilespmem:$0x16B80] =	vst v63  }
0x5d: {  	s31 =	simm.s32 $0xE380  }
0x5e: {  	[tilespmem:s31], [sflag:$0x1] =	stream.indirect_vreg.gather [hbm4b:s15+s3], $0x80, v7, vm0, $0xb8;
	[tilespmem:$0x16B80] =	vst v63  }
0x5f: {  	v7 =	vld [tilespmem:$0x6B20];
	_ =	sdelay $0x4  }
0x60: {  	v8 =	vshll.u32 v7, $0x3  }
0x61: {  	v7 =	vand.u32 $0x7, v7;
	v8 =	vand.u32 $0xFFFFFFC0, v8  }
0x62: {  	v7 =	vor.u32 v7, v8  }
0x63: {  	v8 =	vperm.xlane v7, v4;
	_ =	sdelay $0x1  }
0x64: {  	v8 =	vadd.s32 v5, v8;
	_ =	sdelay $0x3  }
0x65: {  	s31 =	simm.s32 $0xEB80  }
0x66: {  	[tilespmem:s31], [sflag:$0x1] =	stream.indirect_vreg.gather [hbm4b:s2+s3], $0x80, v8, vm0, $0xb8;
	[tilespmem:$0x16B80] =	vst v63  }
0x67: {  	v7 =	vperm.xlane v7, v6;
	s31 =	simm.s32 $0xF380  }
0x68: {  	[tilespmem:s31], [sflag:$0x1] =	stream.indirect_vreg.gather [hbm4b:s13+s3], $0x80, v8, vm0, $0xb8;
	[tilespmem:$0x16B80] =	vst v63  }
0x69: {  	v7 =	vadd.s32 v5, v7;
	s31 =	simm.s32 $0xFB80  }
0x6a: {  	[tilespmem:s31], [sflag:$0x1] =	stream.indirect_vreg.gather [hbm4b:s14+s3], $0x80, v8, vm0, $0xb8;
	[tilespmem:$0x16B80] =	vst v63  }
0x6b: {  	s31 =	simm.s32 $0x10380  }
0x6c: {  	[tilespmem:s31], [sflag:$0x1] =	stream.indirect_vreg.gather [hbm4b:s15+s3], $0x80, v8, vm0, $0xb8;
	[tilespmem:$0x16B80] =	vst v63  }
0x6d: {  	s31 =	simm.s32 $0x10B80  }
0x6e: {  	[tilespmem:s31], [sflag:$0x1] =	stream.indirect_vreg.gather [hbm4b:s2+s3], $0x80, v7, vm0, $0xb8;
	[tilespmem:$0x16B80] =	vst v63  }
0x6f: {  	s31 =	simm.s32 $0x11380  }
0x70: {  	[tilespmem:s31], [sflag:$0x1] =	stream.indirect_vreg.gather [hbm4b:s13+s3], $0x80, v7, vm0, $0xb8;
	[tilespmem:$0x16B80] =	vst v63  }
0x71: {  	s31 =	simm.s32 $0x11B80  }
0x72: {  	[tilespmem:s31], [sflag:$0x1] =	stream.indirect_vreg.gather [hbm4b:s14+s3], $0x80, v7, vm0, $0xb8;
	[tilespmem:$0x16B80] =	vst v63  }
0x73: {  	s31 =	simm.s32 $0x12380  }
0x74: {  	[tilespmem:s31], [sflag:$0x1] =	stream.indirect_vreg.gather [hbm4b:s15+s3], $0x80, v7, vm0, $0xb8;
	[tilespmem:$0x16B80] =	vst v63  }
0x75: {  	v7 =	vld [tilespmem:$0x6B30];
	_ =	sdelay $0x4  }
0x76: {  	v8 =	vshll.u32 v7, $0x3  }
0x77: {  	v7 =	vand.u32 $0x7, v7;
	v8 =	vand.u32 $0xFFFFFFC0, v8  }
0x78: {  	v7 =	vor.u32 v7, v8  }
0x79: {  	v8 =	vperm.xlane v7, v4;
	_ =	sdelay $0x1  }
0x7a: {  	v8 =	vadd.s32 v5, v8;
	_ =	sdelay $0x4  }
0x7b: {  	[tilespmem:s0], [sflag:$0x1] =	stream.indirect_vreg.gather [hbm4b:s2+s3], $0x80, v8, vm0, $0xb8;
	[tilespmem:$0x16B80] =	vst v63  }
0x7c: {  	v7 =	vperm.xlane v7, v6  }
0x7d: {  	[tilespmem:s1], [sflag:$0x1] =	stream.indirect_vreg.gather [hbm4b:s13+s3], $0x80, v8, vm0, $0xb8;
	[tilespmem:$0x16B80] =	vst v63  }
0x7e: {  	v7 =	vadd.s32 v5, v7  }
0x7f: {  	[tilespmem:s19], [sflag:$0x1] =	stream.indirect_vreg.gather [hbm4b:s14+s3], $0x80, v8, vm0, $0xb8;
	[tilespmem:$0x16B80] =	vst v63  }
0x80: {  	_ = 	snop  }
0x81: {  	[tilespmem:s23], [sflag:$0x1] =	stream.indirect_vreg.gather [hbm4b:s15+s3], $0x80, v8, vm0, $0xb8;
	[tilespmem:$0x16B80] =	vst v63  }
0x82: {  	_ = 	snop  }
0x83: {  	[tilespmem:s4], [sflag:$0x1] =	stream.indirect_vreg.gather [hbm4b:s2+s3], $0x80, v7, vm0, $0xb8;
	[tilespmem:$0x16B80] =	vst v63  }
0x84: {  	_ = 	snop  }
0x85: {  	[tilespmem:s5], [sflag:$0x1] =	stream.indirect_vreg.gather [hbm4b:s13+s3], $0x80, v7, vm0, $0xb8;
	[tilespmem:$0x16B80] =	vst v63  }
0x86: {  	_ = 	snop  }
0x87: {  	[tilespmem:s6], [sflag:$0x1] =	stream.indirect_vreg.gather [hbm4b:s14+s3], $0x80, v7, vm0, $0xb8;
	[tilespmem:$0x16B80] =	vst v63  }
0x88: {  	_ = 	snop  }
0x89: {  	[tilespmem:s7], [sflag:$0x1] =	stream.indirect_vreg.gather [hbm4b:s15+s3], $0x80, v7, vm0, $0xb8;
	[tilespmem:$0x16B80] =	vst v63  }
0x8a: {  	s9 =	sadd.s32 $0x1, s9;
	_ =	swait.ge [sflag:s8], $0x10000  }
0x8b: {  	p2 =	sne.s32 s9, s17;
	[sflag:s8] =	ssyncset.done $0x0  }
.Ltmp1:
0x8c: {  	[sflag:s8] =	ssyncadd.s32 $0xFFFF0000;
	(pc) =	sbr.rel @!p2 .LBB2_8-.Ltmp1, $4  }
0x8d: {  	[hbm4b:s16+s3] =	stream.linear.scatter [tilespmem:s25], [sflag:$0x2], $0x10000, $0x38;
	[tilespmem:$0x16B80] =	vst v63  }
0x8e: {  	_ =	swait.ge [sflag:s18], $0x10000  }
0x8f: {  	[sflag:s18] =	ssyncset.done $0x0  }
0x90: {  	[sflag:s18] =	ssyncadd.s32 $0xFFFF0000  }
.LBB2_1:
.Ltmp2:
0x91: {  	(pc) =	sbr.rel @p0 .LBB2_7-.Ltmp2, $1  }
0x92: {  	_ =	sdelay $0x3  }
0x93: {  	s10 =	simm.s32 $0x0;
	s11 =	rddreg [dreg:$0x5]  }
0x94: {  	[tilespmem:s10], [sflag:$0x2] =	stream.linear.gather [hbm4b:s11+s10], $0x2000, $0x38;
	[tilespmem:$0x16B80] =	vst v63  }
0x95: {  	_ =	swait.ge [sflag:s18], $0x2000  }
0x96: {  	[sflag:s18] =	ssyncset.done $0x0  }
0x97: {  	s24 =	simm.s32 $0x2000;
	s26 =	rddreg [dreg:$0x6];
	[sflag:s18] =	ssyncadd.s32 $0xFFFFE000  }
0x98: {  	[tilespmem:s24], [sflag:$0x2] =	stream.linear.gather [hbm4b:s26+s10], $0x10, $0x38;
	[tilespmem:$0x16B80] =	vst v63  }
0x99: {  	_ =	swait.ge [sflag:s18], $0x10  }
0x9a: {  	[sflag:s18] =	ssyncset.done $0x0  }
0x9b: {  	s30 =	rddreg [dreg:$0x7];
	[sflag:s18] =	ssyncadd.s32 $0xFFFFFFF0  }
0x9c: {  	[tilespmem:s20], [sflag:$0x2] =	stream.linear.gather [hbm4b:s30+s10], $0x2000, $0x38;
	[tilespmem:$0x16B80] =	vst v63  }
0x9d: {  	_ =	swait.ge [sflag:s18], $0x2000  }
0x9e: {  	[sflag:s18] =	ssyncset.done $0x0  }
0x9f: {  	s31 =	rddreg [dreg:$0x8];
	[sflag:s18] =	ssyncadd.s32 $0xFFFFE000  }
0xa0: {  	[tilespmem:s21], [sflag:$0x2] =	stream.linear.gather [hbm4b:s31+s10], $0x2000, $0x38;
	[tilespmem:$0x16B80] =	vst v63  }
0xa1: {  	_ =	swait.ge [sflag:s18], $0x2000  }
0xa2: {  	[sflag:s18] =	ssyncset.done $0x0  }
0xa3: {  	[sflag:s18] =	ssyncadd.s32 $0xFFFFE000  }
0xa4: {  	v7 =	vld [tilespmem:$0x2000]  }
0xa5: {  	v8 =	vld [tilespmem:s10+$0x0];
	_ =	sdelay $0x4  }
0xa6: {  	vm1 =	vge.f32 v8, v7  }
0xa7: {  	v8 =	vsel vm1, $0x1, v1  }
0xa8: {  	(xrf0) =	vadd.scan.msk.s32 $0xffff, v8;
	_ =	sdelay $0x2  }
0xa9: {  	v8 =	vmov s10  }
0xaa: {  	v8 =	vadd.s32 $0xFFFFFFFF, v8  }
0xab: {  	v8 =	vbroadcast v8, $0x0  }
0xac: {  	v9, _, _ =	vpop (xrf0)  }
0xad: {  	v8 =	vadd.s32 v9, v8;
	(v2sf) =	vpush v9, $0xF  }
0xae: {  	vm2 =	vlt.s32 v8, $0x200  }
0xaf: {  	vm1 =	vmand vm1, vm2;
	_ =	sdelay $0x4  }
0xb0: {  	v10 =	vor.u32 s10, v2;
	s24 =	simm.s32 $0x6080  }
0xb1: {  	s11 =	simm.s32 $0x10;
	[tilespmem:v8+s24+$0x0] =	vst.idx.msk vm1, v10  }
0xb2: {  	s28 =	simm.s32 $0x20;
	s29 =	simm.s32 $0x10;
	s26 =	simm.s32 $0x0;
	v8 =	vld [tilespmem:s11+$0x0]  }
.LBB2_3:
0xb3: {  	p2 =	sne.s32 s28, $0x1FF0;
	_ =	sdelay $0x3  }
0xb4: {  	vm1 =	vge.f32 v8, v7  }
0xb5: {  	v8 =	vsel vm1, $0x1, v1;
	s30 =	spop (v2sf)  }
0xb6: {  	(xrf0) =	vadd.scan.msk.s32 $0xffff, v8;
	s26 =	sadd.s32 s26, s30  }
0xb7: {  	v8 =	vmov s26  }
0xb8: {  	v8 =	vadd.s32 $0xFFFFFFFF, v8  }
0xb9: {  	v8 =	vbroadcast v8, $0x0;
	_ =	sdelay $0x2  }
0xba: {  	v9, _, _ =	vpop (xrf0)  }
0xbb: {  	v8 =	vadd.s32 v9, v8;
	(v2sf) =	vpush v9, $0xF  }
0xbc: {  	vm2 =	vlt.s32 v8, $0x200  }
0xbd: {  	vm1 =	vmand vm1, vm2;
	_ =	sdelay $0x2  }
.Ltmp3:
0xbe: {  	(pc) =	sbr.rel @p2 .LBB2_3-.Ltmp3, $4  }
0xbf: {  	_ = 	snop  }
0xc0: {  	v9 =	vor.u32 s11, v2;
	s11 =	smov.u32 s28  }
0xc1: {  	s29 =	sadd.s32 $0x10, s29;
	[tilespmem:v8+s24+$0x0] =	vst.idx.msk vm1, v9  }
0xc2: {  	s28 =	sadd.s32 $0x10, s28;
	v8 =	vld [tilespmem:s29+$0x0]  }
0xc3: {  	_ =	sdelay $0x3  }
0xc4: {  	vm1 =	vge.f32 v8, v7  }
0xc5: {  	v7 =	vsel vm1, $0x1, v1  }
0xc6: {  	(xrf0) =	vadd.scan.msk.s32 $0xffff, v7  }
0xc7: {  	s24 =	spop (v2sf)  }
0xc8: {  	s24 =	sadd.s32 s26, s24  }
0xc9: {  	v7 =	vmov s24  }
0xca: {  	v7 =	vadd.s32 $0xFFFFFFFF, v7  }
0xcb: {  	v7 =	vbroadcast v7, $0x0  }
0xcc: {  	v8, _, _ =	vpop (xrf0)  }
0xcd: {  	v7 =	vadd.s32 v8, v7  }
0xce: {  	vm2 =	vlt.s32 v7, $0x200  }
0xcf: {  	vm1 =	vmand vm1, vm2;
	_ =	sdelay $0x4  }
0xd0: {  	v9 =	vor.u32 s11, v2;
	s11 =	simm.s32 $0x6080  }
0xd1: {  	[tilespmem:v7+s11+$0x0] =	vst.idx.msk vm1, v9  }
0xd2: {  	v7 =	vld [tilespmem:s11+$0x0]  }
0xd3: {  	(v2sf) =	vpush v8, $0xF;
	_ =	sdelay $0x6  }
0xd4: {  	v63 =	vmov s10;
	v8 =	vld.idx.msk [tilespmem:v7+s20+$0x0], $0xffff  }
0xd5: {  	v9 =	vshll.u32 v63, $0x1;
	v10 =	vld.idx.msk [tilespmem:v7+s21+$0x0], $0xffff  }
0xd6: {  	v9 =	vor.u32 v3, v9  }
0xd7: {  	v11 =	vor.u32 $0x1, v9  }
0xd8: {  	s10 =	simm.s32 $0x6280  }
0xd9: {  	s24 =	simm.s32 $0x6480;
	[tilespmem:s10+$0x0] =	vst v8  }
0xda: {  	[tilespmem:s24+$0x0] =	vst v10  }
0xdb: {  	[tilespmem:v9+s22+$0x0] =	vst.idx.msk $0xffff, v8  }
0xdc: {  	s26 =	simm.s32 $0x10;
	s31 =	spop (v2sf);
	v7 =	vadd.s32 v0, v7;
	[tilespmem:v11+s22+$0x0] =	vst.idx.msk $0xffff, v10  }
.LBB2_5:
0xdd: {  	[tilespmem:s11+$0x0] =	vst v7;
	s11 =	sadd.s32 $0x10, s11;
	s10 =	sadd.s32 $0x10, s10;
	s24 =	sadd.s32 $0x10, s24  }
0xde: {  	p2 =	sne.s32 s26, $0x1F0;
	s28 =	smov.u32 s26;
	s26 =	sadd.s32 $0x10, s26;
	v7 =	vld [tilespmem:s11+$0x0]  }
0xdf: {  	_ =	sdelay $0x6  }
0xe0: {  	v8 =	vld.idx.msk [tilespmem:v7+s20+$0x0], $0xffff  }
0xe1: {  	v10 =	vmov s28;
	v9 =	vld.idx.msk [tilespmem:v7+s21+$0x0], $0xffff  }
0xe2: {  	v10 =	vshll.u32 v10, $0x1  }
0xe3: {  	v10 =	vor.u32 v3, v10  }
0xe4: {  	v11 =	vor.u32 $0x1, v10  }
.Ltmp4:
0xe5: {  	(pc) =	sbr.rel @p2 .LBB2_5-.Ltmp4, $4  }
0xe6: {  	[tilespmem:s10+$0x0] =	vst v8  }
0xe7: {  	[tilespmem:s24+$0x0] =	vst v9  }
0xe8: {  	[tilespmem:v10+s22+$0x0] =	vst.idx.msk $0xffff, v8  }
0xe9: {  	v7 =	vadd.s32 v0, v7;
	[tilespmem:v11+s22+$0x0] =	vst.idx.msk $0xffff, v9  }
.Ltmp5:
0xea: {  	_ = 	snop;
	(pc) =	sbr.rel .LBB2_6-.Ltmp5, $1  }
0xeb: {  	_ =	sdelay $0x3  }
.LBB2_8:
0xec: {  	_ =	sfence.sel $0x180000  }
0xed: {  	[bflag:$0x0] =	sbarrier.arrive $0xFFFF  }
0xee: {  	_ =	strace $0x90000047  }
0xef: {  	s0 =	stileid.u32;
	[bflag:$0x2] =	sbarrier.arrive $0xFFFF  }
0xf0: {  	p0 =	sne.s32 s0, $0x0;
	s0 =	rddreg [dreg:$0x4]  }
0xf1: {  	s0 =	sadd.s32 @!p0 $0x100000, s0  }
0xf2: {  	[sflag:s0] =	ssyncadd.tile.s32 @!p0 $0x1;
	_ =	shalt  }
.Lfunc_end2:
_tile_overlayer_lowered:
.L_overlay_start_2:
0xf3: {  	(tag) =	ssettag $0x2  }
0xf4: {  	s0 =	rddreg [dreg:$0x0];
	s2 =	stileid.u32  }
0xf5: {  	s1 =	rddreg [dreg:$0x1];
	p0 =	sne.s32 s2, $0x0  }
0xf6: {  	s3 =	rddreg [dreg:$0x2];
	[bflag:$0x3] =	sbarrier.arrive $0xFFFF;
	s2 =	simm.s32 @!p0 $0x1C02  }
0xf7: {  	[timem:s3], [sflag:s2] =	dma.local @!p0 [hbm:s0], s1  }
0xf8: {  	s0 =	simm.s32 @!p0 $0x2  }
0xf9: {  	_ =	swait.ge @!p0 [sflag:s0], s1  }
0xfa: {  	s1 =	ssub.s32 @!p0 $0x0, s1;
	[sflag:s0] =	ssyncset.done @!p0 $0x0  }
0xfb: {  	[sflag:s0] =	ssyncadd.s32 @!p0 s1  }
0xfc: {  	[bflag:$0x3] =	sbarrier.arrive $0xFFFF  }
0xfd: {  	_ =	shalt  }

</sc_bundles>
